<compile_context>
chip_gen: v7x
topology: tpu7x:2x2x1
jax: 0.10.2.dev20260603
libtpu: 0.0.44.dev20260713+nightly
codegen_flags: <defaults>
</compile_context>

<pallas_src>
import functools

import jax
import jax.numpy as jnp
from jax import lax
from jax.experimental import pallas as pl
from jax.experimental.pallas import tpu as pltpu
from jax.experimental.pallas import tpu_sc as plsc

D = 64
SCALE = 8.0

B_TOTAL = 4096 * 200
NW = 32
B_PER_W = B_TOTAL // NW
CHUNK = 512
GSZ = 128
N_GATHER = CHUNK // GSZ
N_CHUNKS = B_PER_W // CHUNK
NBUF = 2

TBW = 4096
NBLK_D = 124
OFF_B = 121
DENSE_ROWS = NBLK_D * TBW
SPLIT = DENSE_ROWS
SUB = 2 * OFF_B * TBW - 1


def _make_kernel():
  mesh = plsc.VectorSubcoreMesh(core_axis_name="c", subcore_axis_name="s")

  @functools.partial(
      pl.kernel,
      mesh=mesh,
      compiler_params=pltpu.CompilerParams(use_tc_tiling_on_sc=False),
      out_type=jax.ShapeDtypeStruct((B_TOTAL, 2 * D), jnp.float32),
      scratch_types=[
          pltpu.VMEM((NBUF, CHUNK), jnp.int32),
          pltpu.VMEM((NBUF, CHUNK, D), jnp.float32),
          pltpu.SemaphoreType.DMA,
          pltpu.SemaphoreType.DMA,
          pltpu.SemaphoreType.DMA,
          pltpu.SemaphoreType.DMA,
          pltpu.SemaphoreType.DMA,
          pltpu.SemaphoreType.DMA,
      ],
  )
  def emb_kernel(x_hbm, table_hbm, out_hbm, idx_v, rows_v,
                 si0, si1, sg0, sg1, so0, so1):
    sem_i = (si0, si1)
    sem_g = (sg0, sg1)
    sem_o = (so0, so1)
    wid = lax.axis_index("s") * 2 + lax.axis_index("c")
    wbase = wid * B_PER_W

    def idx_copy(g, b):
      return pltpu.make_async_copy(
          x_hbm.at[pl.ds(wbase + g * CHUNK, CHUNK)], idx_v.at[b], sem_i[b])

    def fire_gather(b):
      for j in range(N_GATHER):
        pltpu.async_copy(
            table_hbm.at[idx_v.at[b, pl.ds(j * GSZ, GSZ)]],
            rows_v.at[b, pl.ds(j * GSZ, GSZ)],
            sem_g[b])

    def drain_gather(b):
      pltpu.make_async_copy(
          out_hbm.at[pl.ds(0, CHUNK), pl.ds(0, D)], rows_v.at[b],
          sem_g[b]).wait()

    def out_copy(g, b):
      return pltpu.make_async_copy(
          rows_v.at[b],
          out_hbm.at[pl.ds(wbase + g * CHUNK, CHUNK), pl.ds(0, D)],
          sem_o[b])

    def scale(b):
      def scale_row(r, c):
        for j in range(D // 16):
          rows_v[b, r, pl.ds(j * 16, 16)] = (
              rows_v[b, r, pl.ds(j * 16, 16)] * SCALE)
        return c

      lax.fori_loop(0, CHUNK, scale_row, 0, unroll=4)

    idx_copy(0, 0).start()
    idx_copy(1, 1).start()
    idx_copy(0, 0).wait()
    fire_gather(0)

    @pl.loop(0, N_CHUNKS, step=NBUF)
    def pipeline(g0):
      for b in range(NBUF):
        g = g0 + b
        nb = (b + 1) % NBUF

        @pl.when(g + 1 < N_CHUNKS)
        def _():
          idx_copy(g + 1, nb).wait()

          @pl.when(g >= 1)
          def _():
            out_copy(g - 1, nb).wait()

          fire_gather(nb)

        drain_gather(b)

        @pl.when(g + 2 < N_CHUNKS)
        def _():
          idx_copy(g + 2, b).start()

        scale(b)
        out_copy(g, b).start()

    out_copy(N_CHUNKS - 1, (N_CHUNKS - 1) % NBUF).wait()

  return emb_kernel


_emb = _make_kernel()

V = 1_000_000


def _transpose_kernel(lo_ref, hi_ref, out_ref):
  out_ref[:, :D] = lo_ref[...].T
  out_ref[:, D:] = hi_ref[...].T


_tpose = pl.pallas_call(
    _transpose_kernel,
    grid=(NBLK_D,),
    in_specs=[
        pl.BlockSpec((D, TBW), lambda i: (0, i)),
        pl.BlockSpec((D, TBW), lambda i: (0, i + OFF_B)),
    ],
    out_specs=pl.BlockSpec((TBW, 2 * D), lambda i: (i, 0)),
    out_shape=jax.ShapeDtypeStruct((DENSE_ROWS, 2 * D), jnp.float32),
)


@jax.jit
def kernel(x, table):
  tt = table.T
  t128 = _tpose(tt, tt)
  t2 = t128.reshape(2 * DENSE_ROWS, D)
  xi = x.reshape(-1)
  xf = xi * 2 - jnp.where(xi >= SPLIT, SUB, 0)
  out = _emb(xf, t2)
  return out[:, :D].reshape(x.shape[0], x.shape[1], D)

# --- scband reference (transcript-rebuilt; emitter-appended) ---
"""Pipeline reference for scband-embeddings-42777874268631 (READ-ONLY COPY).

The authoritative reference and input builder live on the scoring server;
editing this copy changes nothing except your own understanding.
"""

import jax, jax.numpy as jnp
import numpy as np

VOCAB = 1000000
MODEL_SIZE = 64

def setup_inputs(seed: int = 0) -> dict:
    key = jax.random.key(seed)
    k_idx, k_tab = jax.random.split(key)
    x = jax.random.randint(k_idx, (4096, 200), 0, VOCAB, dtype=jnp.int64 if jax.config.jax_enable_x64 else jnp.int32)
    table = jax.random.truncated_normal(k_tab, -2.0, 2.0, (VOCAB, MODEL_SIZE), dtype=jnp.float32) * 0.02
    return {"x": x, "table": table}

def reference(x, table):
    # Embeddings.__call__: embed lookup scaled by sqrt(model_size)
    emb = jnp.take(table, x, axis=0)
    return emb * jnp.sqrt(jnp.asarray(MODEL_SIZE, dtype=emb.dtype))

if __name__ == "__main__":
    import jax
    _d = setup_inputs()
    print(jax.jit(kernel)(*tuple(_d.values())))

</pallas_src>

<mosaic_0001>
#map = affine_map<(d0, d1) -> (0)>
#map1 = affine_map<(d0, d1) -> (0, 0)>
module attributes {stable_mosaic.version = 14 : i64} {
  func.func @emb_kernel(%arg0: i32, %arg1: i32, %arg2: memref<819200xi32, #tpu.memory_space<hbm>>, %arg3: memref<1015808x64xf32, #tpu.memory_space<hbm>>, %arg4: memref<819200x128xf32, #tpu.memory_space<hbm>>, %arg5: memref<2x512xi32, #tpu.memory_space<vmem>>, %arg6: memref<2x512x64xf32, #tpu.memory_space<vmem>>, %arg7: memref<!tpu.dma_semaphore, #tpu.memory_space<semaphore_mem>>, %arg8: memref<!tpu.dma_semaphore, #tpu.memory_space<semaphore_mem>>, %arg9: memref<!tpu.dma_semaphore, #tpu.memory_space<semaphore_mem>>, %arg10: memref<!tpu.dma_semaphore, #tpu.memory_space<semaphore_mem>>, %arg11: memref<!tpu.dma_semaphore, #tpu.memory_space<semaphore_mem>>, %arg12: memref<!tpu.dma_semaphore, #tpu.memory_space<semaphore_mem>>) attributes {dimension_semantics = [#tpu.dimension_semantics<core_parallel>, #tpu.dimension_semantics<subcore_parallel>], iteration_bounds = array<i64: 2, 16>, scalar_prefetch = 0 : i64, scratch_operands = 8 : i64, tpu.core_type = #tpu.core_type<sc_vector_subcore>, window_params = [{transform_indices = #map}, {transform_indices = #map1}, {transform_indices = #map1}]} {
    %mul3A = arith.constant 2 : i32
    %mul3A_0 = arith.muli %arg1, %mul3A : i32
    %add3A = arith.addi %mul3A_0, %arg0 : i32
    %mul3A_1 = arith.constant 25600 : i32
    %mul3A_2 = arith.muli %add3A, %mul3A_1 : i32
    %add3A_3 = arith.constant 0 : i32
    %add3A_4 = arith.addi %mul3A_2, %add3A_3 : i32
    %dma_start3A = arith.constant 0 : i32
    %dma_start3A_5 = arith.constant 0 : i32
    %dma_start3A_6 = tpu.memref_slice %arg5[%dma_start3A, %dma_start3A_5] : memref<2x512xi32, #tpu.memory_space<vmem>> -> memref<1x512xi32, #tpu.memory_space<vmem>>
    %dma_start3A_7 = tpu.memref_squeeze %dma_start3A_6 : memref<1x512xi32, #tpu.memory_space<vmem>> -> memref<512xi32, #tpu.memory_space<vmem>>
    %dma_start3A_8 = tpu.memref_slice %arg2[%add3A_4] : memref<819200xi32, #tpu.memory_space<hbm>> -> memref<512xi32, #tpu.memory_space<hbm>>
    %dma_start3A_9 = arith.constant 0 : i32
    %dma_start3A_10 = tpu.memref_slice %arg5[%dma_start3A, %dma_start3A_9] : memref<2x512xi32, #tpu.memory_space<vmem>> -> memref<1x512xi32, #tpu.memory_space<vmem>>
    %dma_start3A_11 = tpu.memref_squeeze %dma_start3A_10 : memref<1x512xi32, #tpu.memory_space<vmem>> -> memref<512xi32, #tpu.memory_space<vmem>>
    %dma_start3A_12 = tpu.memref_slice %arg2[%add3A_4] : memref<819200xi32, #tpu.memory_space<hbm>> -> memref<512xi32, #tpu.memory_space<hbm>>
    tpu.enqueue_dma source(%dma_start3A_12 : memref<512xi32, #tpu.memory_space<hbm>>) target(%dma_start3A_11 : memref<512xi32, #tpu.memory_space<vmem>>) target_semaphore(%arg7 : memref<!tpu.dma_semaphore, #tpu.memory_space<semaphore_mem>>)
    %add3A_13 = arith.constant 512 : i32
    %add3A_14 = arith.addi %mul3A_2, %add3A_13 : i32
    %dma_start3A_15 = arith.constant 1 : i32
    %dma_start3A_16 = arith.constant 0 : i32
    %dma_start3A_17 = tpu.memref_slice %arg5[%dma_start3A_15, %dma_start3A_16] : memref<2x512xi32, #tpu.memory_space<vmem>> -> memref<1x512xi32, #tpu.memory_space<vmem>>
    %dma_start3A_18 = tpu.memref_squeeze %dma_start3A_17 : memref<1x512xi32, #tpu.memory_space<vmem>> -> memref<512xi32, #tpu.memory_space<vmem>>
    %dma_start3A_19 = tpu.memref_slice %arg2[%add3A_14] : memref<819200xi32, #tpu.memory_space<hbm>> -> memref<512xi32, #tpu.memory_space<hbm>>
    %dma_start3A_20 = arith.constant 0 : i32
    %dma_start3A_21 = tpu.memref_slice %arg5[%dma_start3A_15, %dma_start3A_20] : memref<2x512xi32, #tpu.memory_space<vmem>> -> memref<1x512xi32, #tpu.memory_space<vmem>>
    %dma_start3A_22 = tpu.memref_squeeze %dma_start3A_21 : memref<1x512xi32, #tpu.memory_space<vmem>> -> memref<512xi32, #tpu.memory_space<vmem>>
    %dma_start3A_23 = tpu.memref_slice %arg2[%add3A_14] : memref<819200xi32, #tpu.memory_space<hbm>> -> memref<512xi32, #tpu.memory_space<hbm>>
    tpu.enqueue_dma source(%dma_start3A_23 : memref<512xi32, #tpu.memory_space<hbm>>) target(%dma_start3A_22 : memref<512xi32, #tpu.memory_space<vmem>>) target_semaphore(%arg8 : memref<!tpu.dma_semaphore, #tpu.memory_space<semaphore_mem>>)
    %add3A_24 = arith.constant 0 : i32
    %add3A_25 = arith.addi %mul3A_2, %add3A_24 : i32
    %dma_wait3A = arith.constant 0 : i32
    %dma_wait3A_26 = arith.constant 0 : i32
    %dma_wait3A_27 = tpu.memref_slice %arg5[%dma_wait3A, %dma_wait3A_26] : memref<2x512xi32, #tpu.memory_space<vmem>> -> memref<1x512xi32, #tpu.memory_space<vmem>>
    %dma_wait3A_28 = tpu.memref_squeeze %dma_wait3A_27 : memref<1x512xi32, #tpu.memory_space<vmem>> -> memref<512xi32, #tpu.memory_space<vmem>>
    %dma_wait3A_29 = tpu.memref_slice %arg2[%add3A_25] : memref<819200xi32, #tpu.memory_space<hbm>> -> memref<512xi32, #tpu.memory_space<hbm>>
    %dma_wait3A_30 = arith.constant 0 : i32
    %dma_wait3A_31 = tpu.memref_slice %arg5[%dma_wait3A, %dma_wait3A_30] : memref<2x512xi32, #tpu.memory_space<vmem>> -> memref<1x512xi32, #tpu.memory_space<vmem>>
    %dma_wait3A_32 = tpu.memref_squeeze %dma_wait3A_31 : memref<1x512xi32, #tpu.memory_space<vmem>> -> memref<512xi32, #tpu.memory_space<vmem>>
    %dma_wait3A_33 = tpu.memref_slice %arg2[%add3A_25] : memref<819200xi32, #tpu.memory_space<hbm>> -> memref<512xi32, #tpu.memory_space<hbm>>
    tpu.wait_dma2 semaphore(%arg7 : memref<!tpu.dma_semaphore, #tpu.memory_space<semaphore_mem>>) src(%dma_wait3A_33 : memref<512xi32, #tpu.memory_space<hbm>>) dst(%dma_wait3A_32 : memref<512xi32, #tpu.memory_space<vmem>>)
    %dma_start3A_34 = arith.constant 0 : i32
    %dma_start3A_35 = arith.constant 0 : i32
    %dma_start3A_36 = arith.constant 0 : i32
    %dma_start3A_37 = arith.constant 0 : i32
    %dma_start3A_38 = tpu.memref_slice %arg6[%dma_start3A_35, %dma_start3A_36, %dma_start3A_37] : memref<2x512x64xf32, #tpu.memory_space<vmem>> -> memref<1x128x64xf32, #tpu.memory_space<vmem>>
    %dma_start3A_39 = tpu.memref_squeeze %dma_start3A_38 : memref<1x128x64xf32, #tpu.memory_space<vmem>> -> memref<128x64xf32, #tpu.memory_space<vmem>>
    %dma_start3A_40 = arith.constant 0 : i32
    %dma_start3A_41 = tpu.memref_slice %arg5[%dma_start3A_34, %dma_start3A_40] : memref<2x512xi32, #tpu.memory_space<vmem>> -> memref<1x128xi32, #tpu.memory_space<vmem>>
    %dma_start3A_42 = tpu.memref_squeeze %dma_start3A_41 : memref<1x128xi32, #tpu.memory_space<vmem>> -> memref<128xi32, #tpu.memory_space<vmem>>
    %dma_start3A_43 = arith.constant 0 : i32
    %dma_start3A_44 = arith.constant 0 : i32
    %dma_start3A_45 = tpu.memref_slice %arg3[%dma_start3A_43, %dma_start3A_44] : memref<1015808x64xf32, #tpu.memory_space<hbm>> -> memref<1015808x64xf32, #tpu.memory_space<hbm>>
    tpu.enqueue_indirect_dma source(%dma_start3A_45 : memref<1015808x64xf32, #tpu.memory_space<hbm>>) target(%dma_start3A_39 : memref<128x64xf32, #tpu.memory_space<vmem>>) offsets(%dma_start3A_42 : memref<128xi32, #tpu.memory_space<vmem>>) semaphore(%arg9 : memref<!tpu.dma_semaphore, #tpu.memory_space<semaphore_mem>>)
    %dma_start3A_46 = arith.constant 0 : i32
    %dma_start3A_47 = arith.constant 0 : i32
    %dma_start3A_48 = arith.constant 128 : i32
    %dma_start3A_49 = arith.constant 0 : i32
    %dma_start3A_50 = tpu.memref_slice %arg6[%dma_start3A_47, %dma_start3A_48, %dma_start3A_49] : memref<2x512x64xf32, #tpu.memory_space<vmem>> -> memref<1x128x64xf32, #tpu.memory_space<vmem>>
    %dma_start3A_51 = tpu.memref_squeeze %dma_start3A_50 : memref<1x128x64xf32, #tpu.memory_space<vmem>> -> memref<128x64xf32, #tpu.memory_space<vmem>>
    %dma_start3A_52 = arith.constant 128 : i32
    %dma_start3A_53 = tpu.memref_slice %arg5[%dma_start3A_46, %dma_start3A_52] : memref<2x512xi32, #tpu.memory_space<vmem>> -> memref<1x128xi32, #tpu.memory_space<vmem>>
    %dma_start3A_54 = tpu.memref_squeeze %dma_start3A_53 : memref<1x128xi32, #tpu.memory_space<vmem>> -> memref<128xi32, #tpu.memory_space<vmem>>
    %dma_start3A_55 = arith.constant 0 : i32
    %dma_start3A_56 = arith.constant 0 : i32
    %dma_start3A_57 = tpu.memref_slice %arg3[%dma_start3A_55, %dma_start3A_56] : memref<1015808x64xf32, #tpu.memory_space<hbm>> -> memref<1015808x64xf32, #tpu.memory_space<hbm>>
    tpu.enqueue_indirect_dma source(%dma_start3A_57 : memref<1015808x64xf32, #tpu.memory_space<hbm>>) target(%dma_start3A_51 : memref<128x64xf32, #tpu.memory_space<vmem>>) offsets(%dma_start3A_54 : memref<128xi32, #tpu.memory_space<vmem>>) semaphore(%arg9 : memref<!tpu.dma_semaphore, #tpu.memory_space<semaphore_mem>>)
    %dma_start3A_58 = arith.constant 0 : i32
    %dma_start3A_59 = arith.constant 0 : i32
    %dma_start3A_60 = arith.constant 256 : i32
    %dma_start3A_61 = arith.constant 0 : i32
    %dma_start3A_62 = tpu.memref_slice %arg6[%dma_start3A_59, %dma_start3A_60, %dma_start3A_61] : memref<2x512x64xf32, #tpu.memory_space<vmem>> -> memref<1x128x64xf32, #tpu.memory_space<vmem>>
    %dma_start3A_63 = tpu.memref_squeeze %dma_start3A_62 : memref<1x128x64xf32, #tpu.memory_space<vmem>> -> memref<128x64xf32, #tpu.memory_space<vmem>>
    %dma_start3A_64 = arith.constant 256 : i32
    %dma_start3A_65 = tpu.memref_slice %arg5[%dma_start3A_58, %dma_start3A_64] : memref<2x512xi32, #tpu.memory_space<vmem>> -> memref<1x128xi32, #tpu.memory_space<vmem>>
    %dma_start3A_66 = tpu.memref_squeeze %dma_start3A_65 : memref<1x128xi32, #tpu.memory_space<vmem>> -> memref<128xi32, #tpu.memory_space<vmem>>
    %dma_start3A_67 = arith.constant 0 : i32
    %dma_start3A_68 = arith.constant 0 : i32
    %dma_start3A_69 = tpu.memref_slice %arg3[%dma_start3A_67, %dma_start3A_68] : memref<1015808x64xf32, #tpu.memory_space<hbm>> -> memref<1015808x64xf32, #tpu.memory_space<hbm>>
    tpu.enqueue_indirect_dma source(%dma_start3A_69 : memref<1015808x64xf32, #tpu.memory_space<hbm>>) target(%dma_start3A_63 : memref<128x64xf32, #tpu.memory_space<vmem>>) offsets(%dma_start3A_66 : memref<128xi32, #tpu.memory_space<vmem>>) semaphore(%arg9 : memref<!tpu.dma_semaphore, #tpu.memory_space<semaphore_mem>>)
    %dma_start3A_70 = arith.constant 0 : i32
    %dma_start3A_71 = arith.constant 0 : i32
    %dma_start3A_72 = arith.constant 384 : i32
    %dma_start3A_73 = arith.constant 0 : i32
    %dma_start3A_74 = tpu.memref_slice %arg6[%dma_start3A_71, %dma_start3A_72, %dma_start3A_73] : memref<2x512x64xf32, #tpu.memory_space<vmem>> -> memref<1x128x64xf32, #tpu.memory_space<vmem>>
    %dma_start3A_75 = tpu.memref_squeeze %dma_start3A_74 : memref<1x128x64xf32, #tpu.memory_space<vmem>> -> memref<128x64xf32, #tpu.memory_space<vmem>>
    %dma_start3A_76 = arith.constant 384 : i32
    %dma_start3A_77 = tpu.memref_slice %arg5[%dma_start3A_70, %dma_start3A_76] : memref<2x512xi32, #tpu.memory_space<vmem>> -> memref<1x128xi32, #tpu.memory_space<vmem>>
    %dma_start3A_78 = tpu.memref_squeeze %dma_start3A_77 : memref<1x128xi32, #tpu.memory_space<vmem>> -> memref<128xi32, #tpu.memory_space<vmem>>
    %dma_start3A_79 = arith.constant 0 : i32
    %dma_start3A_80 = arith.constant 0 : i32
    %dma_start3A_81 = tpu.memref_slice %arg3[%dma_start3A_79, %dma_start3A_80] : memref<1015808x64xf32, #tpu.memory_space<hbm>> -> memref<1015808x64xf32, #tpu.memory_space<hbm>>
    tpu.enqueue_indirect_dma source(%dma_start3A_81 : memref<1015808x64xf32, #tpu.memory_space<hbm>>) target(%dma_start3A_75 : memref<128x64xf32, #tpu.memory_space<vmem>>) offsets(%dma_start3A_78 : memref<128xi32, #tpu.memory_space<vmem>>) semaphore(%arg9 : memref<!tpu.dma_semaphore, #tpu.memory_space<semaphore_mem>>)
    %scan3A = arith.constant 0 : i32
    %scan3A_82 = arith.constant 25 : i32
    %scan3A_83 = arith.addi %scan3A, %scan3A_82 : i32
    %scan3A_84 = arith.constant 1 : i32
    scf.for %scan3A_101 = %scan3A to %scan3A_83 step %scan3A_84  : i32 {
      %mul3A_102 = arith.constant 2 : i32
      %mul3A_103 = arith.muli %scan3A_101, %mul3A_102 : i32
      %add3A_104 = arith.constant 0 : i32
      %add3A_105 = arith.addi %add3A_104, %mul3A_103 : i32
      %add3A_106 = arith.constant 0 : i32
      %add3A_107 = arith.addi %add3A_105, %add3A_106 : i32
      %add3A_108 = arith.constant 1 : i32
      %add3A_109 = arith.addi %add3A_107, %add3A_108 : i32
      %lt3A = arith.constant 50 : i32
      %lt3A_110 = arith.cmpi slt, %add3A_109, %lt3A : i32
      %convert_element_type3A = arith.extui %lt3A_110 : i1 to i32
      %cond3A = arith.constant 0 : i32
      %cond3A_111 = arith.cmpi ne, %convert_element_type3A, %cond3A : i32
      scf.if %cond3A_111 {
        %add3A_209 = arith.constant 1 : i32
        %add3A_210 = arith.addi %add3A_107, %add3A_209 : i32
        %mul3A_211 = arith.constant 512 : i32
        %mul3A_212 = arith.muli %add3A_210, %mul3A_211 : i32
        %add3A_213 = arith.addi %mul3A_2, %mul3A_212 : i32
        %dma_wait3A_214 = arith.constant 1 : i32
        %dma_wait3A_215 = arith.constant 0 : i32
        %dma_wait3A_216 = tpu.memref_slice %arg5[%dma_wait3A_214, %dma_wait3A_215] : memref<2x512xi32, #tpu.memory_space<vmem>> -> memref<1x512xi32, #tpu.memory_space<vmem>>
        %dma_wait3A_217 = tpu.memref_squeeze %dma_wait3A_216 : memref<1x512xi32, #tpu.memory_space<vmem>> -> memref<512xi32, #tpu.memory_space<vmem>>
        %dma_wait3A_218 = tpu.memref_slice %arg2[%add3A_213] : memref<819200xi32, #tpu.memory_space<hbm>> -> memref<512xi32, #tpu.memory_space<hbm>>
        %dma_wait3A_219 = arith.constant 0 : i32
        %dma_wait3A_220 = tpu.memref_slice %arg5[%dma_wait3A_214, %dma_wait3A_219] : memref<2x512xi32, #tpu.memory_space<vmem>> -> memref<1x512xi32, #tpu.memory_space<vmem>>
        %dma_wait3A_221 = tpu.memref_squeeze %dma_wait3A_220 : memref<1x512xi32, #tpu.memory_space<vmem>> -> memref<512xi32, #tpu.memory_space<vmem>>
        %dma_wait3A_222 = tpu.memref_slice %arg2[%add3A_213] : memref<819200xi32, #tpu.memory_space<hbm>> -> memref<512xi32, #tpu.memory_space<hbm>>
        tpu.wait_dma2 semaphore(%arg8 : memref<!tpu.dma_semaphore, #tpu.memory_space<semaphore_mem>>) src(%dma_wait3A_222 : memref<512xi32, #tpu.memory_space<hbm>>) dst(%dma_wait3A_221 : memref<512xi32, #tpu.memory_space<vmem>>)
        %ge3A = arith.constant 1 : i32
        %ge3A_223 = arith.cmpi sge, %add3A_107, %ge3A : i32
        %convert_element_type3A_224 = arith.extui %ge3A_223 : i1 to i32
        %cond3A_225 = arith.constant 0 : i32
        %cond3A_226 = arith.cmpi ne, %convert_element_type3A_224, %cond3A_225 : i32
        scf.if %cond3A_226 {
          %sub3A = arith.constant 1 : i32
          %sub3A_275 = arith.subi %add3A_107, %sub3A : i32
          %mul3A_276 = arith.constant 512 : i32
          %mul3A_277 = arith.muli %sub3A_275, %mul3A_276 : i32
          %add3A_278 = arith.addi %mul3A_2, %mul3A_277 : i32
          %dma_wait3A_279 = arith.constant 1 : i32
          %dma_wait3A_280 = arith.constant 0 : i32
          %dma_wait3A_281 = arith.constant 0 : i32
          %dma_wait3A_282 = tpu.memref_slice %arg6[%dma_wait3A_279, %dma_wait3A_280, %dma_wait3A_281] : memref<2x512x64xf32, #tpu.memory_space<vmem>> -> memref<1x512x64xf32, #tpu.memory_space<vmem>>
          %dma_wait3A_283 = tpu.memref_squeeze %dma_wait3A_282 : memref<1x512x64xf32, #tpu.memory_space<vmem>> -> memref<512x64xf32, #tpu.memory_space<vmem>>
          %dma_wait3A_284 = arith.constant 0 : i32
          %dma_wait3A_285 = tpu.memref_slice %arg4[%add3A_278, %dma_wait3A_284] : memref<819200x128xf32, #tpu.memory_space<hbm>> -> memref<512x64xf32, #tpu.memory_space<hbm>>
          %dma_wait3A_286 = arith.constant 0 : i32
          %dma_wait3A_287 = tpu.memref_slice %arg4[%add3A_278, %dma_wait3A_286] : memref<819200x128xf32, #tpu.memory_space<hbm>> -> memref<512x64xf32, #tpu.memory_space<hbm>>
          %dma_wait3A_288 = arith.constant 0 : i32
          %dma_wait3A_289 = arith.constant 0 : i32
          %dma_wait3A_290 = tpu.memref_slice %arg6[%dma_wait3A_279, %dma_wait3A_288, %dma_wait3A_289] : memref<2x512x64xf32, #tpu.memory_space<vmem>> -> memref<1x512x64xf32, #tpu.memory_space<vmem>>
          %dma_wait3A_291 = tpu.memref_squeeze %dma_wait3A_290 : memref<1x512x64xf32, #tpu.memory_space<vmem>> -> memref<512x64xf32, #tpu.memory_space<vmem>>
          tpu.wait_dma2 semaphore(%arg12 : memref<!tpu.dma_semaphore, #tpu.memory_space<semaphore_mem>>) src(%dma_wait3A_291 : memref<512x64xf32, #tpu.memory_space<vmem>>) dst(%dma_wait3A_287 : memref<512x64xf32, #tpu.memory_space<hbm>>)
        } else {
        }
        %dma_start3A_227 = arith.constant 1 : i32
        %dma_start3A_228 = arith.constant 1 : i32
        %dma_start3A_229 = arith.constant 0 : i32
        %dma_start3A_230 = arith.constant 0 : i32
        %dma_start3A_231 = tpu.memref_slice %arg6[%dma_start3A_228, %dma_start3A_229, %dma_start3A_230] : memref<2x512x64xf32, #tpu.memory_space<vmem>> -> memref<1x128x64xf32, #tpu.memory_space<vmem>>
        %dma_start3A_232 = tpu.memref_squeeze %dma_start3A_231 : memref<1x128x64xf32, #tpu.memory_space<vmem>> -> memref<128x64xf32, #tpu.memory_space<vmem>>
        %dma_start3A_233 = arith.constant 0 : i32
        %dma_start3A_234 = tpu.memref_slice %arg5[%dma_start3A_227, %dma_start3A_233] : memref<2x512xi32, #tpu.memory_space<vmem>> -> memref<1x128xi32, #tpu.memory_space<vmem>>
        %dma_start3A_235 = tpu.memref_squeeze %dma_start3A_234 : memref<1x128xi32, #tpu.memory_space<vmem>> -> memref<128xi32, #tpu.memory_space<vmem>>
        %dma_start3A_236 = arith.constant 0 : i32
        %dma_start3A_237 = arith.constant 0 : i32
        %dma_start3A_238 = tpu.memref_slice %arg3[%dma_start3A_236, %dma_start3A_237] : memref<1015808x64xf32, #tpu.memory_space<hbm>> -> memref<1015808x64xf32, #tpu.memory_space<hbm>>
        tpu.enqueue_indirect_dma source(%dma_start3A_238 : memref<1015808x64xf32, #tpu.memory_space<hbm>>) target(%dma_start3A_232 : memref<128x64xf32, #tpu.memory_space<vmem>>) offsets(%dma_start3A_235 : memref<128xi32, #tpu.memory_space<vmem>>) semaphore(%arg10 : memref<!tpu.dma_semaphore, #tpu.memory_space<semaphore_mem>>)
        %dma_start3A_239 = arith.constant 1 : i32
        %dma_start3A_240 = arith.constant 1 : i32
        %dma_start3A_241 = arith.constant 128 : i32
        %dma_start3A_242 = arith.constant 0 : i32
        %dma_start3A_243 = tpu.memref_slice %arg6[%dma_start3A_240, %dma_start3A_241, %dma_start3A_242] : memref<2x512x64xf32, #tpu.memory_space<vmem>> -> memref<1x128x64xf32, #tpu.memory_space<vmem>>
        %dma_start3A_244 = tpu.memref_squeeze %dma_start3A_243 : memref<1x128x64xf32, #tpu.memory_space<vmem>> -> memref<128x64xf32, #tpu.memory_space<vmem>>
        %dma_start3A_245 = arith.constant 128 : i32
        %dma_start3A_246 = tpu.memref_slice %arg5[%dma_start3A_239, %dma_start3A_245] : memref<2x512xi32, #tpu.memory_space<vmem>> -> memref<1x128xi32, #tpu.memory_space<vmem>>
        %dma_start3A_247 = tpu.memref_squeeze %dma_start3A_246 : memref<1x128xi32, #tpu.memory_space<vmem>> -> memref<128xi32, #tpu.memory_space<vmem>>
        %dma_start3A_248 = arith.constant 0 : i32
        %dma_start3A_249 = arith.constant 0 : i32
        %dma_start3A_250 = tpu.memref_slice %arg3[%dma_start3A_248, %dma_start3A_249] : memref<1015808x64xf32, #tpu.memory_space<hbm>> -> memref<1015808x64xf32, #tpu.memory_space<hbm>>
        tpu.enqueue_indirect_dma source(%dma_start3A_250 : memref<1015808x64xf32, #tpu.memory_space<hbm>>) target(%dma_start3A_244 : memref<128x64xf32, #tpu.memory_space<vmem>>) offsets(%dma_start3A_247 : memref<128xi32, #tpu.memory_space<vmem>>) semaphore(%arg10 : memref<!tpu.dma_semaphore, #tpu.memory_space<semaphore_mem>>)
        %dma_start3A_251 = arith.constant 1 : i32
        %dma_start3A_252 = arith.constant 1 : i32
        %dma_start3A_253 = arith.constant 256 : i32
        %dma_start3A_254 = arith.constant 0 : i32
        %dma_start3A_255 = tpu.memref_slice %arg6[%dma_start3A_252, %dma_start3A_253, %dma_start3A_254] : memref<2x512x64xf32, #tpu.memory_space<vmem>> -> memref<1x128x64xf32, #tpu.memory_space<vmem>>
        %dma_start3A_256 = tpu.memref_squeeze %dma_start3A_255 : memref<1x128x64xf32, #tpu.memory_space<vmem>> -> memref<128x64xf32, #tpu.memory_space<vmem>>
        %dma_start3A_257 = arith.constant 256 : i32
        %dma_start3A_258 = tpu.memref_slice %arg5[%dma_start3A_251, %dma_start3A_257] : memref<2x512xi32, #tpu.memory_space<vmem>> -> memref<1x128xi32, #tpu.memory_space<vmem>>
        %dma_start3A_259 = tpu.memref_squeeze %dma_start3A_258 : memref<1x128xi32, #tpu.memory_space<vmem>> -> memref<128xi32, #tpu.memory_space<vmem>>
        %dma_start3A_260 = arith.constant 0 : i32
        %dma_start3A_261 = arith.constant 0 : i32
        %dma_start3A_262 = tpu.memref_slice %arg3[%dma_start3A_260, %dma_start3A_261] : memref<1015808x64xf32, #tpu.memory_space<hbm>> -> memref<1015808x64xf32, #tpu.memory_space<hbm>>
        tpu.enqueue_indirect_dma source(%dma_start3A_262 : memref<1015808x64xf32, #tpu.memory_space<hbm>>) target(%dma_start3A_256 : memref<128x64xf32, #tpu.memory_space<vmem>>) offsets(%dma_start3A_259 : memref<128xi32, #tpu.memory_space<vmem>>) semaphore(%arg10 : memref<!tpu.dma_semaphore, #tpu.memory_space<semaphore_mem>>)
        %dma_start3A_263 = arith.constant 1 : i32
        %dma_start3A_264 = arith.constant 1 : i32
        %dma_start3A_265 = arith.constant 384 : i32
        %dma_start3A_266 = arith.constant 0 : i32
        %dma_start3A_267 = tpu.memref_slice %arg6[%dma_start3A_264, %dma_start3A_265, %dma_start3A_266] : memref<2x512x64xf32, #tpu.memory_space<vmem>> -> memref<1x128x64xf32, #tpu.memory_space<vmem>>
        %dma_start3A_268 = tpu.memref_squeeze %dma_start3A_267 : memref<1x128x64xf32, #tpu.memory_space<vmem>> -> memref<128x64xf32, #tpu.memory_space<vmem>>
        %dma_start3A_269 = arith.constant 384 : i32
        %dma_start3A_270 = tpu.memref_slice %arg5[%dma_start3A_263, %dma_start3A_269] : memref<2x512xi32, #tpu.memory_space<vmem>> -> memref<1x128xi32, #tpu.memory_space<vmem>>
        %dma_start3A_271 = tpu.memref_squeeze %dma_start3A_270 : memref<1x128xi32, #tpu.memory_space<vmem>> -> memref<128xi32, #tpu.memory_space<vmem>>
        %dma_start3A_272 = arith.constant 0 : i32
        %dma_start3A_273 = arith.constant 0 : i32
        %dma_start3A_274 = tpu.memref_slice %arg3[%dma_start3A_272, %dma_start3A_273] : memref<1015808x64xf32, #tpu.memory_space<hbm>> -> memref<1015808x64xf32, #tpu.memory_space<hbm>>
        tpu.enqueue_indirect_dma source(%dma_start3A_274 : memref<1015808x64xf32, #tpu.memory_space<hbm>>) target(%dma_start3A_268 : memref<128x64xf32, #tpu.memory_space<vmem>>) offsets(%dma_start3A_271 : memref<128xi32, #tpu.memory_space<vmem>>) semaphore(%arg10 : memref<!tpu.dma_semaphore, #tpu.memory_space<semaphore_mem>>)
      } else {
      }
      %dma_wait3A_112 = arith.constant 0 : i32
      %dma_wait3A_113 = arith.constant 0 : i32
      %dma_wait3A_114 = arith.constant 0 : i32
      %dma_wait3A_115 = tpu.memref_slice %arg6[%dma_wait3A_112, %dma_wait3A_113, %dma_wait3A_114] : memref<2x512x64xf32, #tpu.memory_space<vmem>> -> memref<1x512x64xf32, #tpu.memory_space<vmem>>
      %dma_wait3A_116 = tpu.memref_squeeze %dma_wait3A_115 : memref<1x512x64xf32, #tpu.memory_space<vmem>> -> memref<512x64xf32, #tpu.memory_space<vmem>>
      %dma_wait3A_117 = arith.constant 0 : i32
      %dma_wait3A_118 = arith.constant 0 : i32
      %dma_wait3A_119 = tpu.memref_slice %arg4[%dma_wait3A_117, %dma_wait3A_118] : memref<819200x128xf32, #tpu.memory_space<hbm>> -> memref<512x64xf32, #tpu.memory_space<hbm>>
      %dma_wait3A_120 = arith.constant 0 : i32
      %dma_wait3A_121 = arith.constant 0 : i32
      %dma_wait3A_122 = tpu.memref_slice %arg6[%dma_wait3A_112, %dma_wait3A_120, %dma_wait3A_121] : memref<2x512x64xf32, #tpu.memory_space<vmem>> -> memref<1x512x64xf32, #tpu.memory_space<vmem>>
      %dma_wait3A_123 = tpu.memref_squeeze %dma_wait3A_122 : memref<1x512x64xf32, #tpu.memory_space<vmem>> -> memref<512x64xf32, #tpu.memory_space<vmem>>
      %dma_wait3A_124 = arith.constant 0 : i32
      %dma_wait3A_125 = arith.constant 0 : i32
      %dma_wait3A_126 = tpu.memref_slice %arg4[%dma_wait3A_124, %dma_wait3A_125] : memref<819200x128xf32, #tpu.memory_space<hbm>> -> memref<512x64xf32, #tpu.memory_space<hbm>>
      tpu.wait_dma2 semaphore(%arg9 : memref<!tpu.dma_semaphore, #tpu.memory_space<semaphore_mem>>) src(%dma_wait3A_126 : memref<512x64xf32, #tpu.memory_space<hbm>>) dst(%dma_wait3A_123 : memref<512x64xf32, #tpu.memory_space<vmem>>)
      %add3A_127 = arith.constant 2 : i32
      %add3A_128 = arith.addi %add3A_107, %add3A_127 : i32
      %lt3A_129 = arith.constant 50 : i32
      %lt3A_130 = arith.cmpi slt, %add3A_128, %lt3A_129 : i32
      %convert_element_type3A_131 = arith.extui %lt3A_130 : i1 to i32
      %cond3A_132 = arith.constant 0 : i32
      %cond3A_133 = arith.cmpi ne, %convert_element_type3A_131, %cond3A_132 : i32
      scf.if %cond3A_133 {
        %add3A_209 = arith.constant 2 : i32
        %add3A_210 = arith.addi %add3A_107, %add3A_209 : i32
        %mul3A_211 = arith.constant 512 : i32
        %mul3A_212 = arith.muli %add3A_210, %mul3A_211 : i32
        %add3A_213 = arith.addi %mul3A_2, %mul3A_212 : i32
        %dma_start3A_214 = arith.constant 0 : i32
        %dma_start3A_215 = arith.constant 0 : i32
        %dma_start3A_216 = tpu.memref_slice %arg5[%dma_start3A_214, %dma_start3A_215] : memref<2x512xi32, #tpu.memory_space<vmem>> -> memref<1x512xi32, #tpu.memory_space<vmem>>
        %dma_start3A_217 = tpu.memref_squeeze %dma_start3A_216 : memref<1x512xi32, #tpu.memory_space<vmem>> -> memref<512xi32, #tpu.memory_space<vmem>>
        %dma_start3A_218 = tpu.memref_slice %arg2[%add3A_213] : memref<819200xi32, #tpu.memory_space<hbm>> -> memref<512xi32, #tpu.memory_space<hbm>>
        %dma_start3A_219 = arith.constant 0 : i32
        %dma_start3A_220 = tpu.memref_slice %arg5[%dma_start3A_214, %dma_start3A_219] : memref<2x512xi32, #tpu.memory_space<vmem>> -> memref<1x512xi32, #tpu.memory_space<vmem>>
        %dma_start3A_221 = tpu.memref_squeeze %dma_start3A_220 : memref<1x512xi32, #tpu.memory_space<vmem>> -> memref<512xi32, #tpu.memory_space<vmem>>
        %dma_start3A_222 = tpu.memref_slice %arg2[%add3A_213] : memref<819200xi32, #tpu.memory_space<hbm>> -> memref<512xi32, #tpu.memory_space<hbm>>
        tpu.enqueue_dma source(%dma_start3A_222 : memref<512xi32, #tpu.memory_space<hbm>>) target(%dma_start3A_221 : memref<512xi32, #tpu.memory_space<vmem>>) target_semaphore(%arg7 : memref<!tpu.dma_semaphore, #tpu.memory_space<semaphore_mem>>)
      } else {
      }
      %scan3A_134 = arith.constant 0 : i32
      %scan3A_135 = arith.constant 0 : i32
      %scan3A_136 = arith.constant 512 : i32
      %scan3A_137 = arith.addi %scan3A_135, %scan3A_136 : i32
      %scan3A_138 = arith.constant 4 : i32
      scf.for %scan3A_209 = %scan3A_135 to %scan3A_137 step %scan3A_138  : i32 {
        %get3A = arith.constant 0 : i32
        %get3A_210 = arith.index_cast %get3A : i32 to index
        %get3A_211 = arith.index_cast %scan3A_209 : i32 to index
        %get3A_212 = arith.constant 0 : index
        %get3A_213 = tpu.vector_load %arg6[%get3A_210, %get3A_211, %get3A_212] {strides = array<i32>} : memref<2x512x64xf32, #tpu.memory_space<vmem>>, vector<1x1x16xf32>,
        %get3A_214 = vector.shape_cast %get3A_213 : vector<1x1x16xf32> to vector<16xf32>
        %mul3A_215 = arith.constant 8.000000e+00 : f32
        %mul3A_216 = vector.broadcast %mul3A_215 : f32 to vector<16xf32>
        %mul3A_217 = arith.mulf %get3A_214, %mul3A_216 : vector<16xf32>
        %swap3A = arith.constant 0 : i32
        %swap3A_218 = arith.index_cast %swap3A : i32 to index
        %swap3A_219 = arith.index_cast %scan3A_209 : i32 to index
        %swap3A_220 = arith.constant 0 : index
        %swap3A_221 = tpu.vector_load %arg6[%swap3A_218, %swap3A_219, %swap3A_220] {strides = array<i32>} : memref<2x512x64xf32, #tpu.memory_space<vmem>>, vector<1x1x16xf32>,
        %swap3A_222 = vector.shape_cast %swap3A_221 : vector<1x1x16xf32> to vector<16xf32>
        %swap3A_223 = vector.shape_cast %mul3A_217 : vector<16xf32> to vector<1x1x16xf32>
        tpu.vector_store %arg6[%swap3A_218, %swap3A_219, %swap3A_220], %swap3A_223 {strides = array<i32>} : memref<2x512x64xf32, #tpu.memory_space<vmem>>, vector<1x1x16xf32>,
        %get3A_224 = arith.constant 0 : i32
        %get3A_225 = arith.index_cast %get3A_224 : i32 to index
        %get3A_226 = arith.index_cast %scan3A_209 : i32 to index
        %get3A_227 = arith.constant 16 : index
        %get3A_228 = tpu.vector_load %arg6[%get3A_225, %get3A_226, %get3A_227] {strides = array<i32>} : memref<2x512x64xf32, #tpu.memory_space<vmem>>, vector<1x1x16xf32>,
        %get3A_229 = vector.shape_cast %get3A_228 : vector<1x1x16xf32> to vector<16xf32>
        %mul3A_230 = arith.constant 8.000000e+00 : f32
        %mul3A_231 = vector.broadcast %mul3A_230 : f32 to vector<16xf32>
        %mul3A_232 = arith.mulf %get3A_229, %mul3A_231 : vector<16xf32>
        %swap3A_233 = arith.constant 0 : i32
        %swap3A_234 = arith.index_cast %swap3A_233 : i32 to index
        %swap3A_235 = arith.index_cast %scan3A_209 : i32 to index
        %swap3A_236 = arith.constant 16 : index
        %swap3A_237 = tpu.vector_load %arg6[%swap3A_234, %swap3A_235, %swap3A_236] {strides = array<i32>} : memref<2x512x64xf32, #tpu.memory_space<vmem>>, vector<1x1x16xf32>,
        %swap3A_238 = vector.shape_cast %swap3A_237 : vector<1x1x16xf32> to vector<16xf32>
        %swap3A_239 = vector.shape_cast %mul3A_232 : vector<16xf32> to vector<1x1x16xf32>
        tpu.vector_store %arg6[%swap3A_234, %swap3A_235, %swap3A_236], %swap3A_239 {strides = array<i32>} : memref<2x512x64xf32, #tpu.memory_space<vmem>>, vector<1x1x16xf32>,
        %get3A_240 = arith.constant 0 : i32
        %get3A_241 = arith.index_cast %get3A_240 : i32 to index
        %get3A_242 = arith.index_cast %scan3A_209 : i32 to index
        %get3A_243 = arith.constant 32 : index
        %get3A_244 = tpu.vector_load %arg6[%get3A_241, %get3A_242, %get3A_243] {strides = array<i32>} : memref<2x512x64xf32, #tpu.memory_space<vmem>>, vector<1x1x16xf32>,
        %get3A_245 = vector.shape_cast %get3A_244 : vector<1x1x16xf32> to vector<16xf32>
        %mul3A_246 = arith.constant 8.000000e+00 : f32
        %mul3A_247 = vector.broadcast %mul3A_246 : f32 to vector<16xf32>
        %mul3A_248 = arith.mulf %get3A_245, %mul3A_247 : vector<16xf32>
        %swap3A_249 = arith.constant 0 : i32
        %swap3A_250 = arith.index_cast %swap3A_249 : i32 to index
        %swap3A_251 = arith.index_cast %scan3A_209 : i32 to index
        %swap3A_252 = arith.constant 32 : index
        %swap3A_253 = tpu.vector_load %arg6[%swap3A_250, %swap3A_251, %swap3A_252] {strides = array<i32>} : memref<2x512x64xf32, #tpu.memory_space<vmem>>, vector<1x1x16xf32>,
        %swap3A_254 = vector.shape_cast %swap3A_253 : vector<1x1x16xf32> to vector<16xf32>
        %swap3A_255 = vector.shape_cast %mul3A_248 : vector<16xf32> to vector<1x1x16xf32>
        tpu.vector_store %arg6[%swap3A_250, %swap3A_251, %swap3A_252], %swap3A_255 {strides = array<i32>} : memref<2x512x64xf32, #tpu.memory_space<vmem>>, vector<1x1x16xf32>,
        %get3A_256 = arith.constant 0 : i32
        %get3A_257 = arith.index_cast %get3A_256 : i32 to index
        %get3A_258 = arith.index_cast %scan3A_209 : i32 to index
        %get3A_259 = arith.constant 48 : index
        %get3A_260 = tpu.vector_load %arg6[%get3A_257, %get3A_258, %get3A_259] {strides = array<i32>} : memref<2x512x64xf32, #tpu.memory_space<vmem>>, vector<1x1x16xf32>,
        %get3A_261 = vector.shape_cast %get3A_260 : vector<1x1x16xf32> to vector<16xf32>
        %mul3A_262 = arith.constant 8.000000e+00 : f32
        %mul3A_263 = vector.broadcast %mul3A_262 : f32 to vector<16xf32>
        %mul3A_264 = arith.mulf %get3A_261, %mul3A_263 : vector<16xf32>
        %swap3A_265 = arith.constant 0 : i32
        %swap3A_266 = arith.index_cast %swap3A_265 : i32 to index
        %swap3A_267 = arith.index_cast %scan3A_209 : i32 to index
        %swap3A_268 = arith.constant 48 : index
        %swap3A_269 = tpu.vector_load %arg6[%swap3A_266, %swap3A_267, %swap3A_268] {strides = array<i32>} : memref<2x512x64xf32, #tpu.memory_space<vmem>>, vector<1x1x16xf32>,
        %swap3A_270 = vector.shape_cast %swap3A_269 : vector<1x1x16xf32> to vector<16xf32>
        %swap3A_271 = vector.shape_cast %mul3A_264 : vector<16xf32> to vector<1x1x16xf32>
        tpu.vector_store %arg6[%swap3A_266, %swap3A_267, %swap3A_268], %swap3A_271 {strides = array<i32>} : memref<2x512x64xf32, #tpu.memory_space<vmem>>, vector<1x1x16xf32>,
        %scan3A_272 = arith.constant 1 : i32
        %scan3A_273 = arith.addi %scan3A_209, %scan3A_272 : i32
        %get3A_274 = arith.constant 0 : i32
        %get3A_275 = arith.index_cast %get3A_274 : i32 to index
        %get3A_276 = arith.index_cast %scan3A_273 : i32 to index
        %get3A_277 = arith.constant 0 : index
        %get3A_278 = tpu.vector_load %arg6[%get3A_275, %get3A_276, %get3A_277] {strides = array<i32>} : memref<2x512x64xf32, #tpu.memory_space<vmem>>, vector<1x1x16xf32>,
        %get3A_279 = vector.shape_cast %get3A_278 : vector<1x1x16xf32> to vector<16xf32>
        %mul3A_280 = arith.constant 8.000000e+00 : f32
        %mul3A_281 = vector.broadcast %mul3A_280 : f32 to vector<16xf32>
        %mul3A_282 = arith.mulf %get3A_279, %mul3A_281 : vector<16xf32>
        %swap3A_283 = arith.constant 0 : i32
        %swap3A_284 = arith.index_cast %swap3A_283 : i32 to index
        %swap3A_285 = arith.index_cast %scan3A_273 : i32 to index
        %swap3A_286 = arith.constant 0 : index
        %swap3A_287 = tpu.vector_load %arg6[%swap3A_284, %swap3A_285, %swap3A_286] {strides = array<i32>} : memref<2x512x64xf32, #tpu.memory_space<vmem>>, vector<1x1x16xf32>,
        %swap3A_288 = vector.shape_cast %swap3A_287 : vector<1x1x16xf32> to vector<16xf32>
        %swap3A_289 = vector.shape_cast %mul3A_282 : vector<16xf32> to vector<1x1x16xf32>
        tpu.vector_store %arg6[%swap3A_284, %swap3A_285, %swap3A_286], %swap3A_289 {strides = array<i32>} : memref<2x512x64xf32, #tpu.memory_space<vmem>>, vector<1x1x16xf32>,
        %get3A_290 = arith.constant 0 : i32
        %get3A_291 = arith.index_cast %get3A_290 : i32 to index
        %get3A_292 = arith.index_cast %scan3A_273 : i32 to index
        %get3A_293 = arith.constant 16 : index
        %get3A_294 = tpu.vector_load %arg6[%get3A_291, %get3A_292, %get3A_293] {strides = array<i32>} : memref<2x512x64xf32, #tpu.memory_space<vmem>>, vector<1x1x16xf32>,
        %get3A_295 = vector.shape_cast %get3A_294 : vector<1x1x16xf32> to vector<16xf32>
        %mul3A_296 = arith.constant 8.000000e+00 : f32
        %mul3A_297 = vector.broadcast %mul3A_296 : f32 to vector<16xf32>
        %mul3A_298 = arith.mulf %get3A_295, %mul3A_297 : vector<16xf32>
        %swap3A_299 = arith.constant 0 : i32
        %swap3A_300 = arith.index_cast %swap3A_299 : i32 to index
        %swap3A_301 = arith.index_cast %scan3A_273 : i32 to index
        %swap3A_302 = arith.constant 16 : index
        %swap3A_303 = tpu.vector_load %arg6[%swap3A_300, %swap3A_301, %swap3A_302] {strides = array<i32>} : memref<2x512x64xf32, #tpu.memory_space<vmem>>, vector<1x1x16xf32>,
        %swap3A_304 = vector.shape_cast %swap3A_303 : vector<1x1x16xf32> to vector<16xf32>
        %swap3A_305 = vector.shape_cast %mul3A_298 : vector<16xf32> to vector<1x1x16xf32>
        tpu.vector_store %arg6[%swap3A_300, %swap3A_301, %swap3A_302], %swap3A_305 {strides = array<i32>} : memref<2x512x64xf32, #tpu.memory_space<vmem>>, vector<1x1x16xf32>,
        %get3A_306 = arith.constant 0 : i32
        %get3A_307 = arith.index_cast %get3A_306 : i32 to index
        %get3A_308 = arith.index_cast %scan3A_273 : i32 to index
        %get3A_309 = arith.constant 32 : index
        %get3A_310 = tpu.vector_load %arg6[%get3A_307, %get3A_308, %get3A_309] {strides = array<i32>} : memref<2x512x64xf32, #tpu.memory_space<vmem>>, vector<1x1x16xf32>,
        %get3A_311 = vector.shape_cast %get3A_310 : vector<1x1x16xf32> to vector<16xf32>
        %mul3A_312 = arith.constant 8.000000e+00 : f32
        %mul3A_313 = vector.broadcast %mul3A_312 : f32 to vector<16xf32>
        %mul3A_314 = arith.mulf %get3A_311, %mul3A_313 : vector<16xf32>
        %swap3A_315 = arith.constant 0 : i32
        %swap3A_316 = arith.index_cast %swap3A_315 : i32 to index
        %swap3A_317 = arith.index_cast %scan3A_273 : i32 to index
        %swap3A_318 = arith.constant 32 : index
        %swap3A_319 = tpu.vector_load %arg6[%swap3A_316, %swap3A_317, %swap3A_318] {strides = array<i32>} : memref<2x512x64xf32, #tpu.memory_space<vmem>>, vector<1x1x16xf32>,
        %swap3A_320 = vector.shape_cast %swap3A_319 : vector<1x1x16xf32> to vector<16xf32>
        %swap3A_321 = vector.shape_cast %mul3A_314 : vector<16xf32> to vector<1x1x16xf32>
        tpu.vector_store %arg6[%swap3A_316, %swap3A_317, %swap3A_318], %swap3A_321 {strides = array<i32>} : memref<2x512x64xf32, #tpu.memory_space<vmem>>, vector<1x1x16xf32>,
        %get3A_322 = arith.constant 0 : i32
        %get3A_323 = arith.index_cast %get3A_322 : i32 to index
        %get3A_324 = arith.index_cast %scan3A_273 : i32 to index
        %get3A_325 = arith.constant 48 : index
        %get3A_326 = tpu.vector_load %arg6[%get3A_323, %get3A_324, %get3A_325] {strides = array<i32>} : memref<2x512x64xf32, #tpu.memory_space<vmem>>, vector<1x1x16xf32>,
        %get3A_327 = vector.shape_cast %get3A_326 : vector<1x1x16xf32> to vector<16xf32>
        %mul3A_328 = arith.constant 8.000000e+00 : f32
        %mul3A_329 = vector.broadcast %mul3A_328 : f32 to vector<16xf32>
        %mul3A_330 = arith.mulf %get3A_327, %mul3A_329 : vector<16xf32>
        %swap3A_331 = arith.constant 0 : i32
        %swap3A_332 = arith.index_cast %swap3A_331 : i32 to index
        %swap3A_333 = arith.index_cast %scan3A_273 : i32 to index
        %swap3A_334 = arith.constant 48 : index
        %swap3A_335 = tpu.vector_load %arg6[%swap3A_332, %swap3A_333, %swap3A_334] {strides = array<i32>} : memref<2x512x64xf32, #tpu.memory_space<vmem>>, vector<1x1x16xf32>,
        %swap3A_336 = vector.shape_cast %swap3A_335 : vector<1x1x16xf32> to vector<16xf32>
        %swap3A_337 = vector.shape_cast %mul3A_330 : vector<16xf32> to vector<1x1x16xf32>
        tpu.vector_store %arg6[%swap3A_332, %swap3A_333, %swap3A_334], %swap3A_337 {strides = array<i32>} : memref<2x512x64xf32, #tpu.memory_space<vmem>>, vector<1x1x16xf32>,
        %scan3A_338 = arith.constant 2 : i32
        %scan3A_339 = arith.addi %scan3A_209, %scan3A_338 : i32
        %get3A_340 = arith.constant 0 : i32
        %get3A_341 = arith.index_cast %get3A_340 : i32 to index
        %get3A_342 = arith.index_cast %scan3A_339 : i32 to index
        %get3A_343 = arith.constant 0 : index
        %get3A_344 = tpu.vector_load %arg6[%get3A_341, %get3A_342, %get3A_343] {strides = array<i32>} : memref<2x512x64xf32, #tpu.memory_space<vmem>>, vector<1x1x16xf32>,
        %get3A_345 = vector.shape_cast %get3A_344 : vector<1x1x16xf32> to vector<16xf32>
        %mul3A_346 = arith.constant 8.000000e+00 : f32
        %mul3A_347 = vector.broadcast %mul3A_346 : f32 to vector<16xf32>
        %mul3A_348 = arith.mulf %get3A_345, %mul3A_347 : vector<16xf32>
        %swap3A_349 = arith.constant 0 : i32
        %swap3A_350 = arith.index_cast %swap3A_349 : i32 to index
        %swap3A_351 = arith.index_cast %scan3A_339 : i32 to index
        %swap3A_352 = arith.constant 0 : index
        %swap3A_353 = tpu.vector_load %arg6[%swap3A_350, %swap3A_351, %swap3A_352] {strides = array<i32>} : memref<2x512x64xf32, #tpu.memory_space<vmem>>, vector<1x1x16xf32>,
        %swap3A_354 = vector.shape_cast %swap3A_353 : vector<1x1x16xf32> to vector<16xf32>
        %swap3A_355 = vector.shape_cast %mul3A_348 : vector<16xf32> to vector<1x1x16xf32>
        tpu.vector_store %arg6[%swap3A_350, %swap3A_351, %swap3A_352], %swap3A_355 {strides = array<i32>} : memref<2x512x64xf32, #tpu.memory_space<vmem>>, vector<1x1x16xf32>,
        %get3A_356 = arith.constant 0 : i32
        %get3A_357 = arith.index_cast %get3A_356 : i32 to index
        %get3A_358 = arith.index_cast %scan3A_339 : i32 to index
        %get3A_359 = arith.constant 16 : index
        %get3A_360 = tpu.vector_load %arg6[%get3A_357, %get3A_358, %get3A_359] {strides = array<i32>} : memref<2x512x64xf32, #tpu.memory_space<vmem>>, vector<1x1x16xf32>,
        %get3A_361 = vector.shape_cast %get3A_360 : vector<1x1x16xf32> to vector<16xf32>
        %mul3A_362 = arith.constant 8.000000e+00 : f32
        %mul3A_363 = vector.broadcast %mul3A_362 : f32 to vector<16xf32>
        %mul3A_364 = arith.mulf %get3A_361, %mul3A_363 : vector<16xf32>
        %swap3A_365 = arith.constant 0 : i32
        %swap3A_366 = arith.index_cast %swap3A_365 : i32 to index
        %swap3A_367 = arith.index_cast %scan3A_339 : i32 to index
        %swap3A_368 = arith.constant 16 : index
        %swap3A_369 = tpu.vector_load %arg6[%swap3A_366, %swap3A_367, %swap3A_368] {strides = array<i32>} : memref<2x512x64xf32, #tpu.memory_space<vmem>>, vector<1x1x16xf32>,
        %swap3A_370 = vector.shape_cast %swap3A_369 : vector<1x1x16xf32> to vector<16xf32>
        %swap3A_371 = vector.shape_cast %mul3A_364 : vector<16xf32> to vector<1x1x16xf32>
        tpu.vector_store %arg6[%swap3A_366, %swap3A_367, %swap3A_368], %swap3A_371 {strides = array<i32>} : memref<2x512x64xf32, #tpu.memory_space<vmem>>, vector<1x1x16xf32>,
        %get3A_372 = arith.constant 0 : i32
        %get3A_373 = arith.index_cast %get3A_372 : i32 to index
        %get3A_374 = arith.index_cast %scan3A_339 : i32 to index
        %get3A_375 = arith.constant 32 : index
        %get3A_376 = tpu.vector_load %arg6[%get3A_373, %get3A_374, %get3A_375] {strides = array<i32>} : memref<2x512x64xf32, #tpu.memory_space<vmem>>, vector<1x1x16xf32>,
        %get3A_377 = vector.shape_cast %get3A_376 : vector<1x1x16xf32> to vector<16xf32>
        %mul3A_378 = arith.constant 8.000000e+00 : f32
        %mul3A_379 = vector.broadcast %mul3A_378 : f32 to vector<16xf32>
        %mul3A_380 = arith.mulf %get3A_377, %mul3A_379 : vector<16xf32>
        %swap3A_381 = arith.constant 0 : i32
        %swap3A_382 = arith.index_cast %swap3A_381 : i32 to index
        %swap3A_383 = arith.index_cast %scan3A_339 : i32 to index
        %swap3A_384 = arith.constant 32 : index
        %swap3A_385 = tpu.vector_load %arg6[%swap3A_382, %swap3A_383, %swap3A_384] {strides = array<i32>} : memref<2x512x64xf32, #tpu.memory_space<vmem>>, vector<1x1x16xf32>,
        %swap3A_386 = vector.shape_cast %swap3A_385 : vector<1x1x16xf32> to vector<16xf32>
        %swap3A_387 = vector.shape_cast %mul3A_380 : vector<16xf32> to vector<1x1x16xf32>
        tpu.vector_store %arg6[%swap3A_382, %swap3A_383, %swap3A_384], %swap3A_387 {strides = array<i32>} : memref<2x512x64xf32, #tpu.memory_space<vmem>>, vector<1x1x16xf32>,
        %get3A_388 = arith.constant 0 : i32
        %get3A_389 = arith.index_cast %get3A_388 : i32 to index
        %get3A_390 = arith.index_cast %scan3A_339 : i32 to index
        %get3A_391 = arith.constant 48 : index
        %get3A_392 = tpu.vector_load %arg6[%get3A_389, %get3A_390, %get3A_391] {strides = array<i32>} : memref<2x512x64xf32, #tpu.memory_space<vmem>>, vector<1x1x16xf32>,
        %get3A_393 = vector.shape_cast %get3A_392 : vector<1x1x16xf32> to vector<16xf32>
        %mul3A_394 = arith.constant 8.000000e+00 : f32
        %mul3A_395 = vector.broadcast %mul3A_394 : f32 to vector<16xf32>
        %mul3A_396 = arith.mulf %get3A_393, %mul3A_395 : vector<16xf32>
        %swap3A_397 = arith.constant 0 : i32
        %swap3A_398 = arith.index_cast %swap3A_397 : i32 to index
        %swap3A_399 = arith.index_cast %scan3A_339 : i32 to index
        %swap3A_400 = arith.constant 48 : index
        %swap3A_401 = tpu.vector_load %arg6[%swap3A_398, %swap3A_399, %swap3A_400] {strides = array<i32>} : memref<2x512x64xf32, #tpu.memory_space<vmem>>, vector<1x1x16xf32>,
        %swap3A_402 = vector.shape_cast %swap3A_401 : vector<1x1x16xf32> to vector<16xf32>
        %swap3A_403 = vector.shape_cast %mul3A_396 : vector<16xf32> to vector<1x1x16xf32>
        tpu.vector_store %arg6[%swap3A_398, %swap3A_399, %swap3A_400], %swap3A_403 {strides = array<i32>} : memref<2x512x64xf32, #tpu.memory_space<vmem>>, vector<1x1x16xf32>,
        %scan3A_404 = arith.constant 3 : i32
        %scan3A_405 = arith.addi %scan3A_209, %scan3A_404 : i32
        %get3A_406 = arith.constant 0 : i32
        %get3A_407 = arith.index_cast %get3A_406 : i32 to index
        %get3A_408 = arith.index_cast %scan3A_405 : i32 to index
        %get3A_409 = arith.constant 0 : index
        %get3A_410 = tpu.vector_load %arg6[%get3A_407, %get3A_408, %get3A_409] {strides = array<i32>} : memref<2x512x64xf32, #tpu.memory_space<vmem>>, vector<1x1x16xf32>,
        %get3A_411 = vector.shape_cast %get3A_410 : vector<1x1x16xf32> to vector<16xf32>
        %mul3A_412 = arith.constant 8.000000e+00 : f32
        %mul3A_413 = vector.broadcast %mul3A_412 : f32 to vector<16xf32>
        %mul3A_414 = arith.mulf %get3A_411, %mul3A_413 : vector<16xf32>
        %swap3A_415 = arith.constant 0 : i32
        %swap3A_416 = arith.index_cast %swap3A_415 : i32 to index
        %swap3A_417 = arith.index_cast %scan3A_405 : i32 to index
        %swap3A_418 = arith.constant 0 : index
        %swap3A_419 = tpu.vector_load %arg6[%swap3A_416, %swap3A_417, %swap3A_418] {strides = array<i32>} : memref<2x512x64xf32, #tpu.memory_space<vmem>>, vector<1x1x16xf32>,
        %swap3A_420 = vector.shape_cast %swap3A_419 : vector<1x1x16xf32> to vector<16xf32>
        %swap3A_421 = vector.shape_cast %mul3A_414 : vector<16xf32> to vector<1x1x16xf32>
        tpu.vector_store %arg6[%swap3A_416, %swap3A_417, %swap3A_418], %swap3A_421 {strides = array<i32>} : memref<2x512x64xf32, #tpu.memory_space<vmem>>, vector<1x1x16xf32>,
        %get3A_422 = arith.constant 0 : i32
        %get3A_423 = arith.index_cast %get3A_422 : i32 to index
        %get3A_424 = arith.index_cast %scan3A_405 : i32 to index
        %get3A_425 = arith.constant 16 : index
        %get3A_426 = tpu.vector_load %arg6[%get3A_423, %get3A_424, %get3A_425] {strides = array<i32>} : memref<2x512x64xf32, #tpu.memory_space<vmem>>, vector<1x1x16xf32>,
        %get3A_427 = vector.shape_cast %get3A_426 : vector<1x1x16xf32> to vector<16xf32>
        %mul3A_428 = arith.constant 8.000000e+00 : f32
        %mul3A_429 = vector.broadcast %mul3A_428 : f32 to vector<16xf32>
        %mul3A_430 = arith.mulf %get3A_427, %mul3A_429 : vector<16xf32>
        %swap3A_431 = arith.constant 0 : i32
        %swap3A_432 = arith.index_cast %swap3A_431 : i32 to index
        %swap3A_433 = arith.index_cast %scan3A_405 : i32 to index
        %swap3A_434 = arith.constant 16 : index
        %swap3A_435 = tpu.vector_load %arg6[%swap3A_432, %swap3A_433, %swap3A_434] {strides = array<i32>} : memref<2x512x64xf32, #tpu.memory_space<vmem>>, vector<1x1x16xf32>,
        %swap3A_436 = vector.shape_cast %swap3A_435 : vector<1x1x16xf32> to vector<16xf32>
        %swap3A_437 = vector.shape_cast %mul3A_430 : vector<16xf32> to vector<1x1x16xf32>
        tpu.vector_store %arg6[%swap3A_432, %swap3A_433, %swap3A_434], %swap3A_437 {strides = array<i32>} : memref<2x512x64xf32, #tpu.memory_space<vmem>>, vector<1x1x16xf32>,
        %get3A_438 = arith.constant 0 : i32
        %get3A_439 = arith.index_cast %get3A_438 : i32 to index
        %get3A_440 = arith.index_cast %scan3A_405 : i32 to index
        %get3A_441 = arith.constant 32 : index
        %get3A_442 = tpu.vector_load %arg6[%get3A_439, %get3A_440, %get3A_441] {strides = array<i32>} : memref<2x512x64xf32, #tpu.memory_space<vmem>>, vector<1x1x16xf32>,
        %get3A_443 = vector.shape_cast %get3A_442 : vector<1x1x16xf32> to vector<16xf32>
        %mul3A_444 = arith.constant 8.000000e+00 : f32
        %mul3A_445 = vector.broadcast %mul3A_444 : f32 to vector<16xf32>
        %mul3A_446 = arith.mulf %get3A_443, %mul3A_445 : vector<16xf32>
        %swap3A_447 = arith.constant 0 : i32
        %swap3A_448 = arith.index_cast %swap3A_447 : i32 to index
        %swap3A_449 = arith.index_cast %scan3A_405 : i32 to index
        %swap3A_450 = arith.constant 32 : index
        %swap3A_451 = tpu.vector_load %arg6[%swap3A_448, %swap3A_449, %swap3A_450] {strides = array<i32>} : memref<2x512x64xf32, #tpu.memory_space<vmem>>, vector<1x1x16xf32>,
        %swap3A_452 = vector.shape_cast %swap3A_451 : vector<1x1x16xf32> to vector<16xf32>
        %swap3A_453 = vector.shape_cast %mul3A_446 : vector<16xf32> to vector<1x1x16xf32>
        tpu.vector_store %arg6[%swap3A_448, %swap3A_449, %swap3A_450], %swap3A_453 {strides = array<i32>} : memref<2x512x64xf32, #tpu.memory_space<vmem>>, vector<1x1x16xf32>,
        %get3A_454 = arith.constant 0 : i32
        %get3A_455 = arith.index_cast %get3A_454 : i32 to index
        %get3A_456 = arith.index_cast %scan3A_405 : i32 to index
        %get3A_457 = arith.constant 48 : index
        %get3A_458 = tpu.vector_load %arg6[%get3A_455, %get3A_456, %get3A_457] {strides = array<i32>} : memref<2x512x64xf32, #tpu.memory_space<vmem>>, vector<1x1x16xf32>,
        %get3A_459 = vector.shape_cast %get3A_458 : vector<1x1x16xf32> to vector<16xf32>
        %mul3A_460 = arith.constant 8.000000e+00 : f32
        %mul3A_461 = vector.broadcast %mul3A_460 : f32 to vector<16xf32>
        %mul3A_462 = arith.mulf %get3A_459, %mul3A_461 : vector<16xf32>
        %swap3A_463 = arith.constant 0 : i32
        %swap3A_464 = arith.index_cast %swap3A_463 : i32 to index
        %swap3A_465 = arith.index_cast %scan3A_405 : i32 to index
        %swap3A_466 = arith.constant 48 : index
        %swap3A_467 = tpu.vector_load %arg6[%swap3A_464, %swap3A_465, %swap3A_466] {strides = array<i32>} : memref<2x512x64xf32, #tpu.memory_space<vmem>>, vector<1x1x16xf32>,
        %swap3A_468 = vector.shape_cast %swap3A_467 : vector<1x1x16xf32> to vector<16xf32>
        %swap3A_469 = vector.shape_cast %mul3A_462 : vector<16xf32> to vector<1x1x16xf32>
        tpu.vector_store %arg6[%swap3A_464, %swap3A_465, %swap3A_466], %swap3A_469 {strides = array<i32>} : memref<2x512x64xf32, #tpu.memory_space<vmem>>, vector<1x1x16xf32>,
      }
      %scan3A_139 = arith.constant 512 : i32
      %mul3A_140 = arith.constant 512 : i32
      %mul3A_141 = arith.muli %add3A_107, %mul3A_140 : i32
      %add3A_142 = arith.addi %mul3A_2, %mul3A_141 : i32
      %dma_start3A_143 = arith.constant 0 : i32
      %dma_start3A_144 = arith.constant 0 : i32
      %dma_start3A_145 = arith.constant 0 : i32
      %dma_start3A_146 = tpu.memref_slice %arg6[%dma_start3A_143, %dma_start3A_144, %dma_start3A_145] : memref<2x512x64xf32, #tpu.memory_space<vmem>> -> memref<1x512x64xf32, #tpu.memory_space<vmem>>
      %dma_start3A_147 = tpu.memref_squeeze %dma_start3A_146 : memref<1x512x64xf32, #tpu.memory_space<vmem>> -> memref<512x64xf32, #tpu.memory_space<vmem>>
      %dma_start3A_148 = arith.constant 0 : i32
      %dma_start3A_149 = tpu.memref_slice %arg4[%add3A_142, %dma_start3A_148] : memref<819200x128xf32, #tpu.memory_space<hbm>> -> memref<512x64xf32, #tpu.memory_space<hbm>>
      %dma_start3A_150 = arith.constant 0 : i32
      %dma_start3A_151 = tpu.memref_slice %arg4[%add3A_142, %dma_start3A_150] : memref<819200x128xf32, #tpu.memory_space<hbm>> -> memref<512x64xf32, #tpu.memory_space<hbm>>
      %dma_start3A_152 = arith.constant 0 : i32
      %dma_start3A_153 = arith.constant 0 : i32
      %dma_start3A_154 = tpu.memref_slice %arg6[%dma_start3A_143, %dma_start3A_152, %dma_start3A_153] : memref<2x512x64xf32, #tpu.memory_space<vmem>> -> memref<1x512x64xf32, #tpu.memory_space<vmem>>
      %dma_start3A_155 = tpu.memref_squeeze %dma_start3A_154 : memref<1x512x64xf32, #tpu.memory_space<vmem>> -> memref<512x64xf32, #tpu.memory_space<vmem>>
      tpu.enqueue_dma source(%dma_start3A_155 : memref<512x64xf32, #tpu.memory_space<vmem>>) target(%dma_start3A_151 : memref<512x64xf32, #tpu.memory_space<hbm>>) target_semaphore(%arg11 : memref<!tpu.dma_semaphore, #tpu.memory_space<semaphore_mem>>)
      %add3A_156 = arith.constant 1 : i32
      %add3A_157 = arith.addi %add3A_105, %add3A_156 : i32
      %add3A_158 = arith.constant 1 : i32
      %add3A_159 = arith.addi %add3A_157, %add3A_158 : i32
      %lt3A_160 = arith.constant 50 : i32
      %lt3A_161 = arith.cmpi slt, %add3A_159, %lt3A_160 : i32
      %convert_element_type3A_162 = arith.extui %lt3A_161 : i1 to i32
      %cond3A_163 = arith.constant 0 : i32
      %cond3A_164 = arith.cmpi ne, %convert_element_type3A_162, %cond3A_163 : i32
      scf.if %cond3A_164 {
        %add3A_209 = arith.constant 1 : i32
        %add3A_210 = arith.addi %add3A_157, %add3A_209 : i32
        %mul3A_211 = arith.constant 512 : i32
        %mul3A_212 = arith.muli %add3A_210, %mul3A_211 : i32
        %add3A_213 = arith.addi %mul3A_2, %mul3A_212 : i32
        %dma_wait3A_214 = arith.constant 0 : i32
        %dma_wait3A_215 = arith.constant 0 : i32
        %dma_wait3A_216 = tpu.memref_slice %arg5[%dma_wait3A_214, %dma_wait3A_215] : memref<2x512xi32, #tpu.memory_space<vmem>> -> memref<1x512xi32, #tpu.memory_space<vmem>>
        %dma_wait3A_217 = tpu.memref_squeeze %dma_wait3A_216 : memref<1x512xi32, #tpu.memory_space<vmem>> -> memref<512xi32, #tpu.memory_space<vmem>>
        %dma_wait3A_218 = tpu.memref_slice %arg2[%add3A_213] : memref<819200xi32, #tpu.memory_space<hbm>> -> memref<512xi32, #tpu.memory_space<hbm>>
        %dma_wait3A_219 = arith.constant 0 : i32
        %dma_wait3A_220 = tpu.memref_slice %arg5[%dma_wait3A_214, %dma_wait3A_219] : memref<2x512xi32, #tpu.memory_space<vmem>> -> memref<1x512xi32, #tpu.memory_space<vmem>>
        %dma_wait3A_221 = tpu.memref_squeeze %dma_wait3A_220 : memref<1x512xi32, #tpu.memory_space<vmem>> -> memref<512xi32, #tpu.memory_space<vmem>>
        %dma_wait3A_222 = tpu.memref_slice %arg2[%add3A_213] : memref<819200xi32, #tpu.memory_space<hbm>> -> memref<512xi32, #tpu.memory_space<hbm>>
        tpu.wait_dma2 semaphore(%arg7 : memref<!tpu.dma_semaphore, #tpu.memory_space<semaphore_mem>>) src(%dma_wait3A_222 : memref<512xi32, #tpu.memory_space<hbm>>) dst(%dma_wait3A_221 : memref<512xi32, #tpu.memory_space<vmem>>)
        %ge3A = arith.constant 1 : i32
        %ge3A_223 = arith.cmpi sge, %add3A_157, %ge3A : i32
        %convert_element_type3A_224 = arith.extui %ge3A_223 : i1 to i32
        %cond3A_225 = arith.constant 0 : i32
        %cond3A_226 = arith.cmpi ne, %convert_element_type3A_224, %cond3A_225 : i32
        scf.if %cond3A_226 {
          %sub3A = arith.constant 1 : i32
          %sub3A_275 = arith.subi %add3A_157, %sub3A : i32
          %mul3A_276 = arith.constant 512 : i32
          %mul3A_277 = arith.muli %sub3A_275, %mul3A_276 : i32
          %add3A_278 = arith.addi %mul3A_2, %mul3A_277 : i32
          %dma_wait3A_279 = arith.constant 0 : i32
          %dma_wait3A_280 = arith.constant 0 : i32
          %dma_wait3A_281 = arith.constant 0 : i32
          %dma_wait3A_282 = tpu.memref_slice %arg6[%dma_wait3A_279, %dma_wait3A_280, %dma_wait3A_281] : memref<2x512x64xf32, #tpu.memory_space<vmem>> -> memref<1x512x64xf32, #tpu.memory_space<vmem>>
          %dma_wait3A_283 = tpu.memref_squeeze %dma_wait3A_282 : memref<1x512x64xf32, #tpu.memory_space<vmem>> -> memref<512x64xf32, #tpu.memory_space<vmem>>
          %dma_wait3A_284 = arith.constant 0 : i32
          %dma_wait3A_285 = tpu.memref_slice %arg4[%add3A_278, %dma_wait3A_284] : memref<819200x128xf32, #tpu.memory_space<hbm>> -> memref<512x64xf32, #tpu.memory_space<hbm>>
          %dma_wait3A_286 = arith.constant 0 : i32
          %dma_wait3A_287 = tpu.memref_slice %arg4[%add3A_278, %dma_wait3A_286] : memref<819200x128xf32, #tpu.memory_space<hbm>> -> memref<512x64xf32, #tpu.memory_space<hbm>>
          %dma_wait3A_288 = arith.constant 0 : i32
          %dma_wait3A_289 = arith.constant 0 : i32
          %dma_wait3A_290 = tpu.memref_slice %arg6[%dma_wait3A_279, %dma_wait3A_288, %dma_wait3A_289] : memref<2x512x64xf32, #tpu.memory_space<vmem>> -> memref<1x512x64xf32, #tpu.memory_space<vmem>>
          %dma_wait3A_291 = tpu.memref_squeeze %dma_wait3A_290 : memref<1x512x64xf32, #tpu.memory_space<vmem>> -> memref<512x64xf32, #tpu.memory_space<vmem>>
          tpu.wait_dma2 semaphore(%arg11 : memref<!tpu.dma_semaphore, #tpu.memory_space<semaphore_mem>>) src(%dma_wait3A_291 : memref<512x64xf32, #tpu.memory_space<vmem>>) dst(%dma_wait3A_287 : memref<512x64xf32, #tpu.memory_space<hbm>>)
        } else {
        }
        %dma_start3A_227 = arith.constant 0 : i32
        %dma_start3A_228 = arith.constant 0 : i32
        %dma_start3A_229 = arith.constant 0 : i32
        %dma_start3A_230 = arith.constant 0 : i32
        %dma_start3A_231 = tpu.memref_slice %arg6[%dma_start3A_228, %dma_start3A_229, %dma_start3A_230] : memref<2x512x64xf32, #tpu.memory_space<vmem>> -> memref<1x128x64xf32, #tpu.memory_space<vmem>>
        %dma_start3A_232 = tpu.memref_squeeze %dma_start3A_231 : memref<1x128x64xf32, #tpu.memory_space<vmem>> -> memref<128x64xf32, #tpu.memory_space<vmem>>
        %dma_start3A_233 = arith.constant 0 : i32
        %dma_start3A_234 = tpu.memref_slice %arg5[%dma_start3A_227, %dma_start3A_233] : memref<2x512xi32, #tpu.memory_space<vmem>> -> memref<1x128xi32, #tpu.memory_space<vmem>>
        %dma_start3A_235 = tpu.memref_squeeze %dma_start3A_234 : memref<1x128xi32, #tpu.memory_space<vmem>> -> memref<128xi32, #tpu.memory_space<vmem>>
        %dma_start3A_236 = arith.constant 0 : i32
        %dma_start3A_237 = arith.constant 0 : i32
        %dma_start3A_238 = tpu.memref_slice %arg3[%dma_start3A_236, %dma_start3A_237] : memref<1015808x64xf32, #tpu.memory_space<hbm>> -> memref<1015808x64xf32, #tpu.memory_space<hbm>>
        tpu.enqueue_indirect_dma source(%dma_start3A_238 : memref<1015808x64xf32, #tpu.memory_space<hbm>>) target(%dma_start3A_232 : memref<128x64xf32, #tpu.memory_space<vmem>>) offsets(%dma_start3A_235 : memref<128xi32, #tpu.memory_space<vmem>>) semaphore(%arg9 : memref<!tpu.dma_semaphore, #tpu.memory_space<semaphore_mem>>)
        %dma_start3A_239 = arith.constant 0 : i32
        %dma_start3A_240 = arith.constant 0 : i32
        %dma_start3A_241 = arith.constant 128 : i32
        %dma_start3A_242 = arith.constant 0 : i32
        %dma_start3A_243 = tpu.memref_slice %arg6[%dma_start3A_240, %dma_start3A_241, %dma_start3A_242] : memref<2x512x64xf32, #tpu.memory_space<vmem>> -> memref<1x128x64xf32, #tpu.memory_space<vmem>>
        %dma_start3A_244 = tpu.memref_squeeze %dma_start3A_243 : memref<1x128x64xf32, #tpu.memory_space<vmem>> -> memref<128x64xf32, #tpu.memory_space<vmem>>
        %dma_start3A_245 = arith.constant 128 : i32
        %dma_start3A_246 = tpu.memref_slice %arg5[%dma_start3A_239, %dma_start3A_245] : memref<2x512xi32, #tpu.memory_space<vmem>> -> memref<1x128xi32, #tpu.memory_space<vmem>>
        %dma_start3A_247 = tpu.memref_squeeze %dma_start3A_246 : memref<1x128xi32, #tpu.memory_space<vmem>> -> memref<128xi32, #tpu.memory_space<vmem>>
        %dma_start3A_248 = arith.constant 0 : i32
        %dma_start3A_249 = arith.constant 0 : i32
        %dma_start3A_250 = tpu.memref_slice %arg3[%dma_start3A_248, %dma_start3A_249] : memref<1015808x64xf32, #tpu.memory_space<hbm>> -> memref<1015808x64xf32, #tpu.memory_space<hbm>>
        tpu.enqueue_indirect_dma source(%dma_start3A_250 : memref<1015808x64xf32, #tpu.memory_space<hbm>>) target(%dma_start3A_244 : memref<128x64xf32, #tpu.memory_space<vmem>>) offsets(%dma_start3A_247 : memref<128xi32, #tpu.memory_space<vmem>>) semaphore(%arg9 : memref<!tpu.dma_semaphore, #tpu.memory_space<semaphore_mem>>)
        %dma_start3A_251 = arith.constant 0 : i32
        %dma_start3A_252 = arith.constant 0 : i32
        %dma_start3A_253 = arith.constant 256 : i32
        %dma_start3A_254 = arith.constant 0 : i32
        %dma_start3A_255 = tpu.memref_slice %arg6[%dma_start3A_252, %dma_start3A_253, %dma_start3A_254] : memref<2x512x64xf32, #tpu.memory_space<vmem>> -> memref<1x128x64xf32, #tpu.memory_space<vmem>>
        %dma_start3A_256 = tpu.memref_squeeze %dma_start3A_255 : memref<1x128x64xf32, #tpu.memory_space<vmem>> -> memref<128x64xf32, #tpu.memory_space<vmem>>
        %dma_start3A_257 = arith.constant 256 : i32
        %dma_start3A_258 = tpu.memref_slice %arg5[%dma_start3A_251, %dma_start3A_257] : memref<2x512xi32, #tpu.memory_space<vmem>> -> memref<1x128xi32, #tpu.memory_space<vmem>>
        %dma_start3A_259 = tpu.memref_squeeze %dma_start3A_258 : memref<1x128xi32, #tpu.memory_space<vmem>> -> memref<128xi32, #tpu.memory_space<vmem>>
        %dma_start3A_260 = arith.constant 0 : i32
        %dma_start3A_261 = arith.constant 0 : i32
        %dma_start3A_262 = tpu.memref_slice %arg3[%dma_start3A_260, %dma_start3A_261] : memref<1015808x64xf32, #tpu.memory_space<hbm>> -> memref<1015808x64xf32, #tpu.memory_space<hbm>>
        tpu.enqueue_indirect_dma source(%dma_start3A_262 : memref<1015808x64xf32, #tpu.memory_space<hbm>>) target(%dma_start3A_256 : memref<128x64xf32, #tpu.memory_space<vmem>>) offsets(%dma_start3A_259 : memref<128xi32, #tpu.memory_space<vmem>>) semaphore(%arg9 : memref<!tpu.dma_semaphore, #tpu.memory_space<semaphore_mem>>)
        %dma_start3A_263 = arith.constant 0 : i32
        %dma_start3A_264 = arith.constant 0 : i32
        %dma_start3A_265 = arith.constant 384 : i32
        %dma_start3A_266 = arith.constant 0 : i32
        %dma_start3A_267 = tpu.memref_slice %arg6[%dma_start3A_264, %dma_start3A_265, %dma_start3A_266] : memref<2x512x64xf32, #tpu.memory_space<vmem>> -> memref<1x128x64xf32, #tpu.memory_space<vmem>>
        %dma_start3A_268 = tpu.memref_squeeze %dma_start3A_267 : memref<1x128x64xf32, #tpu.memory_space<vmem>> -> memref<128x64xf32, #tpu.memory_space<vmem>>
        %dma_start3A_269 = arith.constant 384 : i32
        %dma_start3A_270 = tpu.memref_slice %arg5[%dma_start3A_263, %dma_start3A_269] : memref<2x512xi32, #tpu.memory_space<vmem>> -> memref<1x128xi32, #tpu.memory_space<vmem>>
        %dma_start3A_271 = tpu.memref_squeeze %dma_start3A_270 : memref<1x128xi32, #tpu.memory_space<vmem>> -> memref<128xi32, #tpu.memory_space<vmem>>
        %dma_start3A_272 = arith.constant 0 : i32
        %dma_start3A_273 = arith.constant 0 : i32
        %dma_start3A_274 = tpu.memref_slice %arg3[%dma_start3A_272, %dma_start3A_273] : memref<1015808x64xf32, #tpu.memory_space<hbm>> -> memref<1015808x64xf32, #tpu.memory_space<hbm>>
        tpu.enqueue_indirect_dma source(%dma_start3A_274 : memref<1015808x64xf32, #tpu.memory_space<hbm>>) target(%dma_start3A_268 : memref<128x64xf32, #tpu.memory_space<vmem>>) offsets(%dma_start3A_271 : memref<128xi32, #tpu.memory_space<vmem>>) semaphore(%arg9 : memref<!tpu.dma_semaphore, #tpu.memory_space<semaphore_mem>>)
      } else {
      }
      %dma_wait3A_165 = arith.constant 1 : i32
      %dma_wait3A_166 = arith.constant 0 : i32
      %dma_wait3A_167 = arith.constant 0 : i32
      %dma_wait3A_168 = tpu.memref_slice %arg6[%dma_wait3A_165, %dma_wait3A_166, %dma_wait3A_167] : memref<2x512x64xf32, #tpu.memory_space<vmem>> -> memref<1x512x64xf32, #tpu.memory_space<vmem>>
      %dma_wait3A_169 = tpu.memref_squeeze %dma_wait3A_168 : memref<1x512x64xf32, #tpu.memory_space<vmem>> -> memref<512x64xf32, #tpu.memory_space<vmem>>
      %dma_wait3A_170 = arith.constant 0 : i32
      %dma_wait3A_171 = arith.constant 0 : i32
      %dma_wait3A_172 = tpu.memref_slice %arg4[%dma_wait3A_170, %dma_wait3A_171] : memref<819200x128xf32, #tpu.memory_space<hbm>> -> memref<512x64xf32, #tpu.memory_space<hbm>>
      %dma_wait3A_173 = arith.constant 0 : i32
      %dma_wait3A_174 = arith.constant 0 : i32
      %dma_wait3A_175 = tpu.memref_slice %arg6[%dma_wait3A_165, %dma_wait3A_173, %dma_wait3A_174] : memref<2x512x64xf32, #tpu.memory_space<vmem>> -> memref<1x512x64xf32, #tpu.memory_space<vmem>>
      %dma_wait3A_176 = tpu.memref_squeeze %dma_wait3A_175 : memref<1x512x64xf32, #tpu.memory_space<vmem>> -> memref<512x64xf32, #tpu.memory_space<vmem>>
      %dma_wait3A_177 = arith.constant 0 : i32
      %dma_wait3A_178 = arith.constant 0 : i32
      %dma_wait3A_179 = tpu.memref_slice %arg4[%dma_wait3A_177, %dma_wait3A_178] : memref<819200x128xf32, #tpu.memory_space<hbm>> -> memref<512x64xf32, #tpu.memory_space<hbm>>
      tpu.wait_dma2 semaphore(%arg10 : memref<!tpu.dma_semaphore, #tpu.memory_space<semaphore_mem>>) src(%dma_wait3A_179 : memref<512x64xf32, #tpu.memory_space<hbm>>) dst(%dma_wait3A_176 : memref<512x64xf32, #tpu.memory_space<vmem>>)
      %add3A_180 = arith.constant 2 : i32
      %add3A_181 = arith.addi %add3A_157, %add3A_180 : i32
      %lt3A_182 = arith.constant 50 : i32
      %lt3A_183 = arith.cmpi slt, %add3A_181, %lt3A_182 : i32
      %convert_element_type3A_184 = arith.extui %lt3A_183 : i1 to i32
      %cond3A_185 = arith.constant 0 : i32
      %cond3A_186 = arith.cmpi ne, %convert_element_type3A_184, %cond3A_185 : i32
      scf.if %cond3A_186 {
        %add3A_209 = arith.constant 2 : i32
        %add3A_210 = arith.addi %add3A_157, %add3A_209 : i32
        %mul3A_211 = arith.constant 512 : i32
        %mul3A_212 = arith.muli %add3A_210, %mul3A_211 : i32
        %add3A_213 = arith.addi %mul3A_2, %mul3A_212 : i32
        %dma_start3A_214 = arith.constant 1 : i32
        %dma_start3A_215 = arith.constant 0 : i32
        %dma_start3A_216 = tpu.memref_slice %arg5[%dma_start3A_214, %dma_start3A_215] : memref<2x512xi32, #tpu.memory_space<vmem>> -> memref<1x512xi32, #tpu.memory_space<vmem>>
        %dma_start3A_217 = tpu.memref_squeeze %dma_start3A_216 : memref<1x512xi32, #tpu.memory_space<vmem>> -> memref<512xi32, #tpu.memory_space<vmem>>
        %dma_start3A_218 = tpu.memref_slice %arg2[%add3A_213] : memref<819200xi32, #tpu.memory_space<hbm>> -> memref<512xi32, #tpu.memory_space<hbm>>
        %dma_start3A_219 = arith.constant 0 : i32
        %dma_start3A_220 = tpu.memref_slice %arg5[%dma_start3A_214, %dma_start3A_219] : memref<2x512xi32, #tpu.memory_space<vmem>> -> memref<1x512xi32, #tpu.memory_space<vmem>>
        %dma_start3A_221 = tpu.memref_squeeze %dma_start3A_220 : memref<1x512xi32, #tpu.memory_space<vmem>> -> memref<512xi32, #tpu.memory_space<vmem>>
        %dma_start3A_222 = tpu.memref_slice %arg2[%add3A_213] : memref<819200xi32, #tpu.memory_space<hbm>> -> memref<512xi32, #tpu.memory_space<hbm>>
        tpu.enqueue_dma source(%dma_start3A_222 : memref<512xi32, #tpu.memory_space<hbm>>) target(%dma_start3A_221 : memref<512xi32, #tpu.memory_space<vmem>>) target_semaphore(%arg8 : memref<!tpu.dma_semaphore, #tpu.memory_space<semaphore_mem>>)
      } else {
      }
      %scan3A_187 = arith.constant 0 : i32
      %scan3A_188 = arith.constant 0 : i32
      %scan3A_189 = arith.constant 512 : i32
      %scan3A_190 = arith.addi %scan3A_188, %scan3A_189 : i32
      %scan3A_191 = arith.constant 4 : i32
      scf.for %scan3A_209 = %scan3A_188 to %scan3A_190 step %scan3A_191  : i32 {
        %get3A = arith.constant 1 : i32
        %get3A_210 = arith.index_cast %get3A : i32 to index
        %get3A_211 = arith.index_cast %scan3A_209 : i32 to index
        %get3A_212 = arith.constant 0 : index
        %get3A_213 = tpu.vector_load %arg6[%get3A_210, %get3A_211, %get3A_212] {strides = array<i32>} : memref<2x512x64xf32, #tpu.memory_space<vmem>>, vector<1x1x16xf32>,
        %get3A_214 = vector.shape_cast %get3A_213 : vector<1x1x16xf32> to vector<16xf32>
        %mul3A_215 = arith.constant 8.000000e+00 : f32
        %mul3A_216 = vector.broadcast %mul3A_215 : f32 to vector<16xf32>
        %mul3A_217 = arith.mulf %get3A_214, %mul3A_216 : vector<16xf32>
        %swap3A = arith.constant 1 : i32
        %swap3A_218 = arith.index_cast %swap3A : i32 to index
        %swap3A_219 = arith.index_cast %scan3A_209 : i32 to index
        %swap3A_220 = arith.constant 0 : index
        %swap3A_221 = tpu.vector_load %arg6[%swap3A_218, %swap3A_219, %swap3A_220] {strides = array<i32>} : memref<2x512x64xf32, #tpu.memory_space<vmem>>, vector<1x1x16xf32>,
        %swap3A_222 = vector.shape_cast %swap3A_221 : vector<1x1x16xf32> to vector<16xf32>
        %swap3A_223 = vector.shape_cast %mul3A_217 : vector<16xf32> to vector<1x1x16xf32>
        tpu.vector_store %arg6[%swap3A_218, %swap3A_219, %swap3A_220], %swap3A_223 {strides = array<i32>} : memref<2x512x64xf32, #tpu.memory_space<vmem>>, vector<1x1x16xf32>,
        %get3A_224 = arith.constant 1 : i32
        %get3A_225 = arith.index_cast %get3A_224 : i32 to index
        %get3A_226 = arith.index_cast %scan3A_209 : i32 to index
        %get3A_227 = arith.constant 16 : index
        %get3A_228 = tpu.vector_load %arg6[%get3A_225, %get3A_226, %get3A_227] {strides = array<i32>} : memref<2x512x64xf32, #tpu.memory_space<vmem>>, vector<1x1x16xf32>,
        %get3A_229 = vector.shape_cast %get3A_228 : vector<1x1x16xf32> to vector<16xf32>
        %mul3A_230 = arith.constant 8.000000e+00 : f32
        %mul3A_231 = vector.broadcast %mul3A_230 : f32 to vector<16xf32>
        %mul3A_232 = arith.mulf %get3A_229, %mul3A_231 : vector<16xf32>
        %swap3A_233 = arith.constant 1 : i32
        %swap3A_234 = arith.index_cast %swap3A_233 : i32 to index
        %swap3A_235 = arith.index_cast %scan3A_209 : i32 to index
        %swap3A_236 = arith.constant 16 : index
        %swap3A_237 = tpu.vector_load %arg6[%swap3A_234, %swap3A_235, %swap3A_236] {strides = array<i32>} : memref<2x512x64xf32, #tpu.memory_space<vmem>>, vector<1x1x16xf32>,
        %swap3A_238 = vector.shape_cast %swap3A_237 : vector<1x1x16xf32> to vector<16xf32>
        %swap3A_239 = vector.shape_cast %mul3A_232 : vector<16xf32> to vector<1x1x16xf32>
        tpu.vector_store %arg6[%swap3A_234, %swap3A_235, %swap3A_236], %swap3A_239 {strides = array<i32>} : memref<2x512x64xf32, #tpu.memory_space<vmem>>, vector<1x1x16xf32>,
        %get3A_240 = arith.constant 1 : i32
        %get3A_241 = arith.index_cast %get3A_240 : i32 to index
        %get3A_242 = arith.index_cast %scan3A_209 : i32 to index
        %get3A_243 = arith.constant 32 : index
        %get3A_244 = tpu.vector_load %arg6[%get3A_241, %get3A_242, %get3A_243] {strides = array<i32>} : memref<2x512x64xf32, #tpu.memory_space<vmem>>, vector<1x1x16xf32>,
        %get3A_245 = vector.shape_cast %get3A_244 : vector<1x1x16xf32> to vector<16xf32>
        %mul3A_246 = arith.constant 8.000000e+00 : f32
        %mul3A_247 = vector.broadcast %mul3A_246 : f32 to vector<16xf32>
        %mul3A_248 = arith.mulf %get3A_245, %mul3A_247 : vector<16xf32>
        %swap3A_249 = arith.constant 1 : i32
        %swap3A_250 = arith.index_cast %swap3A_249 : i32 to index
        %swap3A_251 = arith.index_cast %scan3A_209 : i32 to index
        %swap3A_252 = arith.constant 32 : index
        %swap3A_253 = tpu.vector_load %arg6[%swap3A_250, %swap3A_251, %swap3A_252] {strides = array<i32>} : memref<2x512x64xf32, #tpu.memory_space<vmem>>, vector<1x1x16xf32>,
        %swap3A_254 = vector.shape_cast %swap3A_253 : vector<1x1x16xf32> to vector<16xf32>
        %swap3A_255 = vector.shape_cast %mul3A_248 : vector<16xf32> to vector<1x1x16xf32>
        tpu.vector_store %arg6[%swap3A_250, %swap3A_251, %swap3A_252], %swap3A_255 {strides = array<i32>} : memref<2x512x64xf32, #tpu.memory_space<vmem>>, vector<1x1x16xf32>,
        %get3A_256 = arith.constant 1 : i32
        %get3A_257 = arith.index_cast %get3A_256 : i32 to index
        %get3A_258 = arith.index_cast %scan3A_209 : i32 to index
        %get3A_259 = arith.constant 48 : index
        %get3A_260 = tpu.vector_load %arg6[%get3A_257, %get3A_258, %get3A_259] {strides = array<i32>} : memref<2x512x64xf32, #tpu.memory_space<vmem>>, vector<1x1x16xf32>,
        %get3A_261 = vector.shape_cast %get3A_260 : vector<1x1x16xf32> to vector<16xf32>
        %mul3A_262 = arith.constant 8.000000e+00 : f32
        %mul3A_263 = vector.broadcast %mul3A_262 : f32 to vector<16xf32>
        %mul3A_264 = arith.mulf %get3A_261, %mul3A_263 : vector<16xf32>
        %swap3A_265 = arith.constant 1 : i32
        %swap3A_266 = arith.index_cast %swap3A_265 : i32 to index
        %swap3A_267 = arith.index_cast %scan3A_209 : i32 to index
        %swap3A_268 = arith.constant 48 : index
        %swap3A_269 = tpu.vector_load %arg6[%swap3A_266, %swap3A_267, %swap3A_268] {strides = array<i32>} : memref<2x512x64xf32, #tpu.memory_space<vmem>>, vector<1x1x16xf32>,
        %swap3A_270 = vector.shape_cast %swap3A_269 : vector<1x1x16xf32> to vector<16xf32>
        %swap3A_271 = vector.shape_cast %mul3A_264 : vector<16xf32> to vector<1x1x16xf32>
        tpu.vector_store %arg6[%swap3A_266, %swap3A_267, %swap3A_268], %swap3A_271 {strides = array<i32>} : memref<2x512x64xf32, #tpu.memory_space<vmem>>, vector<1x1x16xf32>,
        %scan3A_272 = arith.constant 1 : i32
        %scan3A_273 = arith.addi %scan3A_209, %scan3A_272 : i32
        %get3A_274 = arith.constant 1 : i32
        %get3A_275 = arith.index_cast %get3A_274 : i32 to index
        %get3A_276 = arith.index_cast %scan3A_273 : i32 to index
        %get3A_277 = arith.constant 0 : index
        %get3A_278 = tpu.vector_load %arg6[%get3A_275, %get3A_276, %get3A_277] {strides = array<i32>} : memref<2x512x64xf32, #tpu.memory_space<vmem>>, vector<1x1x16xf32>,
        %get3A_279 = vector.shape_cast %get3A_278 : vector<1x1x16xf32> to vector<16xf32>
        %mul3A_280 = arith.constant 8.000000e+00 : f32
        %mul3A_281 = vector.broadcast %mul3A_280 : f32 to vector<16xf32>
        %mul3A_282 = arith.mulf %get3A_279, %mul3A_281 : vector<16xf32>
        %swap3A_283 = arith.constant 1 : i32
        %swap3A_284 = arith.index_cast %swap3A_283 : i32 to index
        %swap3A_285 = arith.index_cast %scan3A_273 : i32 to index
        %swap3A_286 = arith.constant 0 : index
        %swap3A_287 = tpu.vector_load %arg6[%swap3A_284, %swap3A_285, %swap3A_286] {strides = array<i32>} : memref<2x512x64xf32, #tpu.memory_space<vmem>>, vector<1x1x16xf32>,
        %swap3A_288 = vector.shape_cast %swap3A_287 : vector<1x1x16xf32> to vector<16xf32>
        %swap3A_289 = vector.shape_cast %mul3A_282 : vector<16xf32> to vector<1x1x16xf32>
        tpu.vector_store %arg6[%swap3A_284, %swap3A_285, %swap3A_286], %swap3A_289 {strides = array<i32>} : memref<2x512x64xf32, #tpu.memory_space<vmem>>, vector<1x1x16xf32>,
        %get3A_290 = arith.constant 1 : i32
        %get3A_291 = arith.index_cast %get3A_290 : i32 to index
        %get3A_292 = arith.index_cast %scan3A_273 : i32 to index
        %get3A_293 = arith.constant 16 : index
        %get3A_294 = tpu.vector_load %arg6[%get3A_291, %get3A_292, %get3A_293] {strides = array<i32>} : memref<2x512x64xf32, #tpu.memory_space<vmem>>, vector<1x1x16xf32>,
        %get3A_295 = vector.shape_cast %get3A_294 : vector<1x1x16xf32> to vector<16xf32>
        %mul3A_296 = arith.constant 8.000000e+00 : f32
        %mul3A_297 = vector.broadcast %mul3A_296 : f32 to vector<16xf32>
        %mul3A_298 = arith.mulf %get3A_295, %mul3A_297 : vector<16xf32>
        %swap3A_299 = arith.constant 1 : i32
        %swap3A_300 = arith.index_cast %swap3A_299 : i32 to index
        %swap3A_301 = arith.index_cast %scan3A_273 : i32 to index
        %swap3A_302 = arith.constant 16 : index
        %swap3A_303 = tpu.vector_load %arg6[%swap3A_300, %swap3A_301, %swap3A_302] {strides = array<i32>} : memref<2x512x64xf32, #tpu.memory_space<vmem>>, vector<1x1x16xf32>,
        %swap3A_304 = vector.shape_cast %swap3A_303 : vector<1x1x16xf32> to vector<16xf32>
        %swap3A_305 = vector.shape_cast %mul3A_298 : vector<16xf32> to vector<1x1x16xf32>
        tpu.vector_store %arg6[%swap3A_300, %swap3A_301, %swap3A_302], %swap3A_305 {strides = array<i32>} : memref<2x512x64xf32, #tpu.memory_space<vmem>>, vector<1x1x16xf32>,
        %get3A_306 = arith.constant 1 : i32
        %get3A_307 = arith.index_cast %get3A_306 : i32 to index
        %get3A_308 = arith.index_cast %scan3A_273 : i32 to index
        %get3A_309 = arith.constant 32 : index
        %get3A_310 = tpu.vector_load %arg6[%get3A_307, %get3A_308, %get3A_309] {strides = array<i32>} : memref<2x512x64xf32, #tpu.memory_space<vmem>>, vector<1x1x16xf32>,
        %get3A_311 = vector.shape_cast %get3A_310 : vector<1x1x16xf32> to vector<16xf32>
        %mul3A_312 = arith.constant 8.000000e+00 : f32
        %mul3A_313 = vector.broadcast %mul3A_312 : f32 to vector<16xf32>
        %mul3A_314 = arith.mulf %get3A_311, %mul3A_313 : vector<16xf32>
        %swap3A_315 = arith.constant 1 : i32
        %swap3A_316 = arith.index_cast %swap3A_315 : i32 to index
        %swap3A_317 = arith.index_cast %scan3A_273 : i32 to index
        %swap3A_318 = arith.constant 32 : index
        %swap3A_319 = tpu.vector_load %arg6[%swap3A_316, %swap3A_317, %swap3A_318] {strides = array<i32>} : memref<2x512x64xf32, #tpu.memory_space<vmem>>, vector<1x1x16xf32>,
        %swap3A_320 = vector.shape_cast %swap3A_319 : vector<1x1x16xf32> to vector<16xf32>
        %swap3A_321 = vector.shape_cast %mul3A_314 : vector<16xf32> to vector<1x1x16xf32>
        tpu.vector_store %arg6[%swap3A_316, %swap3A_317, %swap3A_318], %swap3A_321 {strides = array<i32>} : memref<2x512x64xf32, #tpu.memory_space<vmem>>, vector<1x1x16xf32>,
        %get3A_322 = arith.constant 1 : i32
        %get3A_323 = arith.index_cast %get3A_322 : i32 to index
        %get3A_324 = arith.index_cast %scan3A_273 : i32 to index
        %get3A_325 = arith.constant 48 : index
        %get3A_326 = tpu.vector_load %arg6[%get3A_323, %get3A_324, %get3A_325] {strides = array<i32>} : memref<2x512x64xf32, #tpu.memory_space<vmem>>, vector<1x1x16xf32>,
        %get3A_327 = vector.shape_cast %get3A_326 : vector<1x1x16xf32> to vector<16xf32>
        %mul3A_328 = arith.constant 8.000000e+00 : f32
        %mul3A_329 = vector.broadcast %mul3A_328 : f32 to vector<16xf32>
        %mul3A_330 = arith.mulf %get3A_327, %mul3A_329 : vector<16xf32>
        %swap3A_331 = arith.constant 1 : i32
        %swap3A_332 = arith.index_cast %swap3A_331 : i32 to index
        %swap3A_333 = arith.index_cast %scan3A_273 : i32 to index
        %swap3A_334 = arith.constant 48 : index
        %swap3A_335 = tpu.vector_load %arg6[%swap3A_332, %swap3A_333, %swap3A_334] {strides = array<i32>} : memref<2x512x64xf32, #tpu.memory_space<vmem>>, vector<1x1x16xf32>,
        %swap3A_336 = vector.shape_cast %swap3A_335 : vector<1x1x16xf32> to vector<16xf32>
        %swap3A_337 = vector.shape_cast %mul3A_330 : vector<16xf32> to vector<1x1x16xf32>
        tpu.vector_store %arg6[%swap3A_332, %swap3A_333, %swap3A_334], %swap3A_337 {strides = array<i32>} : memref<2x512x64xf32, #tpu.memory_space<vmem>>, vector<1x1x16xf32>,
        %scan3A_338 = arith.constant 2 : i32
        %scan3A_339 = arith.addi %scan3A_209, %scan3A_338 : i32
        %get3A_340 = arith.constant 1 : i32
        %get3A_341 = arith.index_cast %get3A_340 : i32 to index
        %get3A_342 = arith.index_cast %scan3A_339 : i32 to index
        %get3A_343 = arith.constant 0 : index
        %get3A_344 = tpu.vector_load %arg6[%get3A_341, %get3A_342, %get3A_343] {strides = array<i32>} : memref<2x512x64xf32, #tpu.memory_space<vmem>>, vector<1x1x16xf32>,
        %get3A_345 = vector.shape_cast %get3A_344 : vector<1x1x16xf32> to vector<16xf32>
        %mul3A_346 = arith.constant 8.000000e+00 : f32
        %mul3A_347 = vector.broadcast %mul3A_346 : f32 to vector<16xf32>
        %mul3A_348 = arith.mulf %get3A_345, %mul3A_347 : vector<16xf32>
        %swap3A_349 = arith.constant 1 : i32
        %swap3A_350 = arith.index_cast %swap3A_349 : i32 to index
        %swap3A_351 = arith.index_cast %scan3A_339 : i32 to index
        %swap3A_352 = arith.constant 0 : index
        %swap3A_353 = tpu.vector_load %arg6[%swap3A_350, %swap3A_351, %swap3A_352] {strides = array<i32>} : memref<2x512x64xf32, #tpu.memory_space<vmem>>, vector<1x1x16xf32>,
        %swap3A_354 = vector.shape_cast %swap3A_353 : vector<1x1x16xf32> to vector<16xf32>
        %swap3A_355 = vector.shape_cast %mul3A_348 : vector<16xf32> to vector<1x1x16xf32>
        tpu.vector_store %arg6[%swap3A_350, %swap3A_351, %swap3A_352], %swap3A_355 {strides = array<i32>} : memref<2x512x64xf32, #tpu.memory_space<vmem>>, vector<1x1x16xf32>,
        %get3A_356 = arith.constant 1 : i32
        %get3A_357 = arith.index_cast %get3A_356 : i32 to index
        %get3A_358 = arith.index_cast %scan3A_339 : i32 to index
        %get3A_359 = arith.constant 16 : index
        %get3A_360 = tpu.vector_load %arg6[%get3A_357, %get3A_358, %get3A_359] {strides = array<i32>} : memref<2x512x64xf32, #tpu.memory_space<vmem>>, vector<1x1x16xf32>,
        %get3A_361 = vector.shape_cast %get3A_360 : vector<1x1x16xf32> to vector<16xf32>
        %mul3A_362 = arith.constant 8.000000e+00 : f32
        %mul3A_363 = vector.broadcast %mul3A_362 : f32 to vector<16xf32>
        %mul3A_364 = arith.mulf %get3A_361, %mul3A_363 : vector<16xf32>
        %swap3A_365 = arith.constant 1 : i32
        %swap3A_366 = arith.index_cast %swap3A_365 : i32 to index
        %swap3A_367 = arith.index_cast %scan3A_339 : i32 to index
        %swap3A_368 = arith.constant 16 : index
        %swap3A_369 = tpu.vector_load %arg6[%swap3A_366, %swap3A_367, %swap3A_368] {strides = array<i32>} : memref<2x512x64xf32, #tpu.memory_space<vmem>>, vector<1x1x16xf32>,
        %swap3A_370 = vector.shape_cast %swap3A_369 : vector<1x1x16xf32> to vector<16xf32>
        %swap3A_371 = vector.shape_cast %mul3A_364 : vector<16xf32> to vector<1x1x16xf32>
        tpu.vector_store %arg6[%swap3A_366, %swap3A_367, %swap3A_368], %swap3A_371 {strides = array<i32>} : memref<2x512x64xf32, #tpu.memory_space<vmem>>, vector<1x1x16xf32>,
        %get3A_372 = arith.constant 1 : i32
        %get3A_373 = arith.index_cast %get3A_372 : i32 to index
        %get3A_374 = arith.index_cast %scan3A_339 : i32 to index
        %get3A_375 = arith.constant 32 : index
        %get3A_376 = tpu.vector_load %arg6[%get3A_373, %get3A_374, %get3A_375] {strides = array<i32>} : memref<2x512x64xf32, #tpu.memory_space<vmem>>, vector<1x1x16xf32>,
        %get3A_377 = vector.shape_cast %get3A_376 : vector<1x1x16xf32> to vector<16xf32>
        %mul3A_378 = arith.constant 8.000000e+00 : f32
        %mul3A_379 = vector.broadcast %mul3A_378 : f32 to vector<16xf32>
        %mul3A_380 = arith.mulf %get3A_377, %mul3A_379 : vector<16xf32>
        %swap3A_381 = arith.constant 1 : i32
        %swap3A_382 = arith.index_cast %swap3A_381 : i32 to index
        %swap3A_383 = arith.index_cast %scan3A_339 : i32 to index
        %swap3A_384 = arith.constant 32 : index
        %swap3A_385 = tpu.vector_load %arg6[%swap3A_382, %swap3A_383, %swap3A_384] {strides = array<i32>} : memref<2x512x64xf32, #tpu.memory_space<vmem>>, vector<1x1x16xf32>,
        %swap3A_386 = vector.shape_cast %swap3A_385 : vector<1x1x16xf32> to vector<16xf32>
        %swap3A_387 = vector.shape_cast %mul3A_380 : vector<16xf32> to vector<1x1x16xf32>
        tpu.vector_store %arg6[%swap3A_382, %swap3A_383, %swap3A_384], %swap3A_387 {strides = array<i32>} : memref<2x512x64xf32, #tpu.memory_space<vmem>>, vector<1x1x16xf32>,
        %get3A_388 = arith.constant 1 : i32
        %get3A_389 = arith.index_cast %get3A_388 : i32 to index
        %get3A_390 = arith.index_cast %scan3A_339 : i32 to index
        %get3A_391 = arith.constant 48 : index
        %get3A_392 = tpu.vector_load %arg6[%get3A_389, %get3A_390, %get3A_391] {strides = array<i32>} : memref<2x512x64xf32, #tpu.memory_space<vmem>>, vector<1x1x16xf32>,
        %get3A_393 = vector.shape_cast %get3A_392 : vector<1x1x16xf32> to vector<16xf32>
        %mul3A_394 = arith.constant 8.000000e+00 : f32
        %mul3A_395 = vector.broadcast %mul3A_394 : f32 to vector<16xf32>
        %mul3A_396 = arith.mulf %get3A_393, %mul3A_395 : vector<16xf32>
        %swap3A_397 = arith.constant 1 : i32
        %swap3A_398 = arith.index_cast %swap3A_397 : i32 to index
        %swap3A_399 = arith.index_cast %scan3A_339 : i32 to index
        %swap3A_400 = arith.constant 48 : index
        %swap3A_401 = tpu.vector_load %arg6[%swap3A_398, %swap3A_399, %swap3A_400] {strides = array<i32>} : memref<2x512x64xf32, #tpu.memory_space<vmem>>, vector<1x1x16xf32>,
        %swap3A_402 = vector.shape_cast %swap3A_401 : vector<1x1x16xf32> to vector<16xf32>
        %swap3A_403 = vector.shape_cast %mul3A_396 : vector<16xf32> to vector<1x1x16xf32>
        tpu.vector_store %arg6[%swap3A_398, %swap3A_399, %swap3A_400], %swap3A_403 {strides = array<i32>} : memref<2x512x64xf32, #tpu.memory_space<vmem>>, vector<1x1x16xf32>,
        %scan3A_404 = arith.constant 3 : i32
        %scan3A_405 = arith.addi %scan3A_209, %scan3A_404 : i32
        %get3A_406 = arith.constant 1 : i32
        %get3A_407 = arith.index_cast %get3A_406 : i32 to index
        %get3A_408 = arith.index_cast %scan3A_405 : i32 to index
        %get3A_409 = arith.constant 0 : index
        %get3A_410 = tpu.vector_load %arg6[%get3A_407, %get3A_408, %get3A_409] {strides = array<i32>} : memref<2x512x64xf32, #tpu.memory_space<vmem>>, vector<1x1x16xf32>,
        %get3A_411 = vector.shape_cast %get3A_410 : vector<1x1x16xf32> to vector<16xf32>
        %mul3A_412 = arith.constant 8.000000e+00 : f32
        %mul3A_413 = vector.broadcast %mul3A_412 : f32 to vector<16xf32>
        %mul3A_414 = arith.mulf %get3A_411, %mul3A_413 : vector<16xf32>
        %swap3A_415 = arith.constant 1 : i32
        %swap3A_416 = arith.index_cast %swap3A_415 : i32 to index
        %swap3A_417 = arith.index_cast %scan3A_405 : i32 to index
        %swap3A_418 = arith.constant 0 : index
        %swap3A_419 = tpu.vector_load %arg6[%swap3A_416, %swap3A_417, %swap3A_418] {strides = array<i32>} : memref<2x512x64xf32, #tpu.memory_space<vmem>>, vector<1x1x16xf32>,
        %swap3A_420 = vector.shape_cast %swap3A_419 : vector<1x1x16xf32> to vector<16xf32>
        %swap3A_421 = vector.shape_cast %mul3A_414 : vector<16xf32> to vector<1x1x16xf32>
        tpu.vector_store %arg6[%swap3A_416, %swap3A_417, %swap3A_418], %swap3A_421 {strides = array<i32>} : memref<2x512x64xf32, #tpu.memory_space<vmem>>, vector<1x1x16xf32>,
        %get3A_422 = arith.constant 1 : i32
        %get3A_423 = arith.index_cast %get3A_422 : i32 to index
        %get3A_424 = arith.index_cast %scan3A_405 : i32 to index
        %get3A_425 = arith.constant 16 : index
        %get3A_426 = tpu.vector_load %arg6[%get3A_423, %get3A_424, %get3A_425] {strides = array<i32>} : memref<2x512x64xf32, #tpu.memory_space<vmem>>, vector<1x1x16xf32>,
        %get3A_427 = vector.shape_cast %get3A_426 : vector<1x1x16xf32> to vector<16xf32>
        %mul3A_428 = arith.constant 8.000000e+00 : f32
        %mul3A_429 = vector.broadcast %mul3A_428 : f32 to vector<16xf32>
        %mul3A_430 = arith.mulf %get3A_427, %mul3A_429 : vector<16xf32>
        %swap3A_431 = arith.constant 1 : i32
        %swap3A_432 = arith.index_cast %swap3A_431 : i32 to index
        %swap3A_433 = arith.index_cast %scan3A_405 : i32 to index
        %swap3A_434 = arith.constant 16 : index
        %swap3A_435 = tpu.vector_load %arg6[%swap3A_432, %swap3A_433, %swap3A_434] {strides = array<i32>} : memref<2x512x64xf32, #tpu.memory_space<vmem>>, vector<1x1x16xf32>,
        %swap3A_436 = vector.shape_cast %swap3A_435 : vector<1x1x16xf32> to vector<16xf32>
        %swap3A_437 = vector.shape_cast %mul3A_430 : vector<16xf32> to vector<1x1x16xf32>
        tpu.vector_store %arg6[%swap3A_432, %swap3A_433, %swap3A_434], %swap3A_437 {strides = array<i32>} : memref<2x512x64xf32, #tpu.memory_space<vmem>>, vector<1x1x16xf32>,
        %get3A_438 = arith.constant 1 : i32
        %get3A_439 = arith.index_cast %get3A_438 : i32 to index
        %get3A_440 = arith.index_cast %scan3A_405 : i32 to index
        %get3A_441 = arith.constant 32 : index
        %get3A_442 = tpu.vector_load %arg6[%get3A_439, %get3A_440, %get3A_441] {strides = array<i32>} : memref<2x512x64xf32, #tpu.memory_space<vmem>>, vector<1x1x16xf32>,
        %get3A_443 = vector.shape_cast %get3A_442 : vector<1x1x16xf32> to vector<16xf32>
        %mul3A_444 = arith.constant 8.000000e+00 : f32
        %mul3A_445 = vector.broadcast %mul3A_444 : f32 to vector<16xf32>
        %mul3A_446 = arith.mulf %get3A_443, %mul3A_445 : vector<16xf32>
        %swap3A_447 = arith.constant 1 : i32
        %swap3A_448 = arith.index_cast %swap3A_447 : i32 to index
        %swap3A_449 = arith.index_cast %scan3A_405 : i32 to index
        %swap3A_450 = arith.constant 32 : index
        %swap3A_451 = tpu.vector_load %arg6[%swap3A_448, %swap3A_449, %swap3A_450] {strides = array<i32>} : memref<2x512x64xf32, #tpu.memory_space<vmem>>, vector<1x1x16xf32>,
        %swap3A_452 = vector.shape_cast %swap3A_451 : vector<1x1x16xf32> to vector<16xf32>
        %swap3A_453 = vector.shape_cast %mul3A_446 : vector<16xf32> to vector<1x1x16xf32>
        tpu.vector_store %arg6[%swap3A_448, %swap3A_449, %swap3A_450], %swap3A_453 {strides = array<i32>} : memref<2x512x64xf32, #tpu.memory_space<vmem>>, vector<1x1x16xf32>,
        %get3A_454 = arith.constant 1 : i32
        %get3A_455 = arith.index_cast %get3A_454 : i32 to index
        %get3A_456 = arith.index_cast %scan3A_405 : i32 to index
        %get3A_457 = arith.constant 48 : index
        %get3A_458 = tpu.vector_load %arg6[%get3A_455, %get3A_456, %get3A_457] {strides = array<i32>} : memref<2x512x64xf32, #tpu.memory_space<vmem>>, vector<1x1x16xf32>,
        %get3A_459 = vector.shape_cast %get3A_458 : vector<1x1x16xf32> to vector<16xf32>
        %mul3A_460 = arith.constant 8.000000e+00 : f32
        %mul3A_461 = vector.broadcast %mul3A_460 : f32 to vector<16xf32>
        %mul3A_462 = arith.mulf %get3A_459, %mul3A_461 : vector<16xf32>
        %swap3A_463 = arith.constant 1 : i32
        %swap3A_464 = arith.index_cast %swap3A_463 : i32 to index
        %swap3A_465 = arith.index_cast %scan3A_405 : i32 to index
        %swap3A_466 = arith.constant 48 : index
        %swap3A_467 = tpu.vector_load %arg6[%swap3A_464, %swap3A_465, %swap3A_466] {strides = array<i32>} : memref<2x512x64xf32, #tpu.memory_space<vmem>>, vector<1x1x16xf32>,
        %swap3A_468 = vector.shape_cast %swap3A_467 : vector<1x1x16xf32> to vector<16xf32>
        %swap3A_469 = vector.shape_cast %mul3A_462 : vector<16xf32> to vector<1x1x16xf32>
        tpu.vector_store %arg6[%swap3A_464, %swap3A_465, %swap3A_466], %swap3A_469 {strides = array<i32>} : memref<2x512x64xf32, #tpu.memory_space<vmem>>, vector<1x1x16xf32>,
      }
      %scan3A_192 = arith.constant 512 : i32
      %mul3A_193 = arith.constant 512 : i32
      %mul3A_194 = arith.muli %add3A_157, %mul3A_193 : i32
      %add3A_195 = arith.addi %mul3A_2, %mul3A_194 : i32
      %dma_start3A_196 = arith.constant 1 : i32
      %dma_start3A_197 = arith.constant 0 : i32
      %dma_start3A_198 = arith.constant 0 : i32
      %dma_start3A_199 = tpu.memref_slice %arg6[%dma_start3A_196, %dma_start3A_197, %dma_start3A_198] : memref<2x512x64xf32, #tpu.memory_space<vmem>> -> memref<1x512x64xf32, #tpu.memory_space<vmem>>
      %dma_start3A_200 = tpu.memref_squeeze %dma_start3A_199 : memref<1x512x64xf32, #tpu.memory_space<vmem>> -> memref<512x64xf32, #tpu.memory_space<vmem>>
      %dma_start3A_201 = arith.constant 0 : i32
      %dma_start3A_202 = tpu.memref_slice %arg4[%add3A_195, %dma_start3A_201] : memref<819200x128xf32, #tpu.memory_space<hbm>> -> memref<512x64xf32, #tpu.memory_space<hbm>>
      %dma_start3A_203 = arith.constant 0 : i32
      %dma_start3A_204 = tpu.memref_slice %arg4[%add3A_195, %dma_start3A_203] : memref<819200x128xf32, #tpu.memory_space<hbm>> -> memref<512x64xf32, #tpu.memory_space<hbm>>
      %dma_start3A_205 = arith.constant 0 : i32
      %dma_start3A_206 = arith.constant 0 : i32
      %dma_start3A_207 = tpu.memref_slice %arg6[%dma_start3A_196, %dma_start3A_205, %dma_start3A_206] : memref<2x512x64xf32, #tpu.memory_space<vmem>> -> memref<1x512x64xf32, #tpu.memory_space<vmem>>
      %dma_start3A_208 = tpu.memref_squeeze %dma_start3A_207 : memref<1x512x64xf32, #tpu.memory_space<vmem>> -> memref<512x64xf32, #tpu.memory_space<vmem>>
      tpu.enqueue_dma source(%dma_start3A_208 : memref<512x64xf32, #tpu.memory_space<vmem>>) target(%dma_start3A_204 : memref<512x64xf32, #tpu.memory_space<hbm>>) target_semaphore(%arg12 : memref<!tpu.dma_semaphore, #tpu.memory_space<semaphore_mem>>)
    }
    %scan3A_85 = arith.constant 25 : i32
    %add3A_86 = arith.constant 25088 : i32
    %add3A_87 = arith.addi %mul3A_2, %add3A_86 : i32
    %dma_wait3A_88 = arith.constant 1 : i32
    %dma_wait3A_89 = arith.constant 0 : i32
    %dma_wait3A_90 = arith.constant 0 : i32
    %dma_wait3A_91 = tpu.memref_slice %arg6[%dma_wait3A_88, %dma_wait3A_89, %dma_wait3A_90] : memref<2x512x64xf32, #tpu.memory_space<vmem>> -> memref<1x512x64xf32, #tpu.memory_space<vmem>>
    %dma_wait3A_92 = tpu.memref_squeeze %dma_wait3A_91 : memref<1x512x64xf32, #tpu.memory_space<vmem>> -> memref<512x64xf32, #tpu.memory_space<vmem>>
    %dma_wait3A_93 = arith.constant 0 : i32
    %dma_wait3A_94 = tpu.memref_slice %arg4[%add3A_87, %dma_wait3A_93] : memref<819200x128xf32, #tpu.memory_space<hbm>> -> memref<512x64xf32, #tpu.memory_space<hbm>>
    %dma_wait3A_95 = arith.constant 0 : i32
    %dma_wait3A_96 = tpu.memref_slice %arg4[%add3A_87, %dma_wait3A_95] : memref<819200x128xf32, #tpu.memory_space<hbm>> -> memref<512x64xf32, #tpu.memory_space<hbm>>
    %dma_wait3A_97 = arith.constant 0 : i32
    %dma_wait3A_98 = arith.constant 0 : i32
    %dma_wait3A_99 = tpu.memref_slice %arg6[%dma_wait3A_88, %dma_wait3A_97, %dma_wait3A_98] : memref<2x512x64xf32, #tpu.memory_space<vmem>> -> memref<1x512x64xf32, #tpu.memory_space<vmem>>
    %dma_wait3A_100 = tpu.memref_squeeze %dma_wait3A_99 : memref<1x512x64xf32, #tpu.memory_space<vmem>> -> memref<512x64xf32, #tpu.memory_space<vmem>>
    tpu.wait_dma2 semaphore(%arg12 : memref<!tpu.dma_semaphore, #tpu.memory_space<semaphore_mem>>) src(%dma_wait3A_100 : memref<512x64xf32, #tpu.memory_space<vmem>>) dst(%dma_wait3A_96 : memref<512x64xf32, #tpu.memory_space<hbm>>)
    return
  }
}

module attributes {stable_mosaic.version = 14 : i64} {
  func.func @_transpose_kernel(%arg0: i32, %arg1: memref<64x4096xf32, #tpu.memory_space<vmem>>, %arg2: memref<64x4096xf32, #tpu.memory_space<vmem>>, %arg3: memref<4096x128xf32, #tpu.memory_space<vmem>>) attributes {dimension_semantics = [#tpu.dimension_semantics<arbitrary>], iteration_bounds = array<i64: 124>, scalar_prefetch = 0 : i64, scratch_operands = 0 : i64, tpu.core_type = #tpu.core_type<tc>, window_params = [{transform_indices = @transform_0, window_bounds = array<i64: 64, 4096>}, {transform_indices = @transform_1, window_bounds = array<i64: 64, 4096>}, {transform_indices = @transform_2, window_bounds = array<i64: 4096, 128>}]} {
    %get3A = arith.constant 0 : index
    %get3A_0 = arith.constant 0 : index
    %get3A_1 = vector.load %arg1[%get3A, %get3A_0] : memref<64x4096xf32, #tpu.memory_space<vmem>>, vector<64x4096xf32>
    %transpose3A = tpu.transpose %get3A_1, [1, 0] : vector<64x4096xf32> -> vector<4096x64xf32>
    %swap3A = arith.constant 0 : index
    %swap3A_2 = arith.constant 0 : index
    %swap3A_3 = vector.load %arg3[%swap3A, %swap3A_2] : memref<4096x128xf32, #tpu.memory_space<vmem>>, vector<4096x64xf32>
    tpu.vector_store %arg3[%swap3A, %swap3A_2], %transpose3A {strides = array<i32>} : memref<4096x128xf32, #tpu.memory_space<vmem>>, vector<4096x64xf32>,
    %get3A_4 = arith.constant 0 : index
    %get3A_5 = arith.constant 0 : index
    %get3A_6 = vector.load %arg2[%get3A_4, %get3A_5] : memref<64x4096xf32, #tpu.memory_space<vmem>>, vector<64x4096xf32>
    %transpose3A_7 = tpu.transpose %get3A_6, [1, 0] : vector<64x4096xf32> -> vector<4096x64xf32>
    %swap3A_8 = arith.constant 0 : index
    %swap3A_9 = arith.constant 64 : index
    %swap3A_10 = vector.load %arg3[%swap3A_8, %swap3A_9] : memref<4096x128xf32, #tpu.memory_space<vmem>>, vector<4096x64xf32>
    tpu.vector_store %arg3[%swap3A_8, %swap3A_9], %transpose3A_7 {strides = array<i32>} : memref<4096x128xf32, #tpu.memory_space<vmem>>, vector<4096x64xf32>,
    return
  }
  func.func @transform_0(%arg0: i32) -> (i32, i32) {
    %c0_i32 = arith.constant 0 : i32
    %c0_i32_0 = arith.constant 0 : i32
    return %c0_i32, %arg0 : i32, i32
  }
  func.func @transform_1(%arg0: i32) -> (i32, i32) {
    %add3A = arith.constant 121 : i32
    %add3A_0 = arith.addi %arg0, %add3A : i32
    %c0_i32 = arith.constant 0 : i32
    %c0_i32_1 = arith.constant 0 : i32
    return %c0_i32, %add3A_0 : i32, i32
  }
  func.func @transform_2(%arg0: i32) -> (i32, i32) {
    %c0_i32 = arith.constant 0 : i32
    %c0_i32_0 = arith.constant 0 : i32
    return %arg0, %c0_i32 : i32, i32
  }
}

</mosaic_0001>

<sc_bundles>
// kernel: kernel.4.cloned.1.call-start
scs
__scs_entry_jumppad:
0x0: {  	(pc) =	sbr.rel $0x88, $3  }
0x1: {  	(tag) =	ssettag $0x0;
	lr =	simm.s32 $0x1  }
0x2: {  	[smem:$0x3F9F] =	sst lr;
	_ =	strace $0xD0000000  }
0x3: {  	_ = 	snop  }
0x4: {  	_ = 	snop  }
0x5: {  	_ = 	snop  }
0x6: {  	_ = 	snop  }
0x7: {  	_ = 	snop  }
__scs_overlays_trampoline_lowered:
0x8: {  	[smem:$0x3FAE] =	sst s0  }
0x9: {  	[smem:$0x3FAF] =	sst s1  }
0xa: {  	[smem:$0x3FB0] =	sst s2  }
0xb: {  	[smem:$0x3FB1] =	sst s3  }
0xc: {  	[smem:$0x3FB2] =	sst s4  }
0xd: {  	[smem:$0x3FB3] =	sst s5  }
0xe: {  	[smem:$0x3FB4] =	sst s6  }
0xf: {  	[smem:$0x3FB5] =	sst s7  }
0x10: {  	[smem:$0x3FB6] =	sst s8  }
0x11: {  	[smem:$0x3FB7] =	sst s9;
	s0 =	simm.s32 @!p0 $0x0  }
0x12: {  	s1 =	sld [smem:$0x3F9D];
	s0 =	simm.s32 @p0 $0x1  }
0x13: {  	[smem:$0x3FB8] =	sst s0;
	s0 =	simm.s32 @!p1 $0x0  }
0x14: {  	s2 =	sld [smem:$0x3F9C];
	s0 =	simm.s32 @p1 $0x1  }
0x15: {  	[smem:$0x3FB9] =	sst s0;
	s0 =	simm.s32 @!p2 $0x0  }
0x16: {  	s3 =	sld [smem:$0x3FDB];
	s0 =	simm.s32 @p2 $0x1  }
0x17: {  	s4 =	simm.s32 $0x1BF5;
	[smem:$0x3FBB] =	sst s0  }
0x18: {  	s0 =	sld [smem:$0x3F9E];
	_ =	swait.ge [sflag:s4], $0x0  }
0x19: {  	s7 =	sld [smem:$0x3F9F]  }
0x1a: {  	s8 =	sadd.s32 $0xFFFFE003, lr  }
0x1b: {  	s9 =	sadd.s32 $0xFFFFFEF7, lr;
	s5 =	simm.s32 $0xFFFFFFFF;
	p2 =	slt.u32 s8, $0xFFFFF086  }
0x1c: {  	p1 =	slt.u32 s9, $0xF7A;
	s5 =	simm.s32 @!p2 $0x0  }
0x1d: {  	s5 =	simm.s32 @p1 $0x1;
	p0 =	seq.s32 s7, s2  }
0x1e: {  	s7 =	smul.u32 @!p0 $0xF7A, s2;
	p2 =	seq.s32 @!p0 s5, $0x0  }
0x1f: {  	s9 =	smul.u32 $0xF7A, s1;
	s8 =	simm.s32 @!p0 $0x1BF5;
	p2 =	por !p2, p0  }
0x20: {  	[sflag:s8] =	ssyncset.s32 @!p0 $0xFFFFF086;
	s6 =	sadd.s32 @!p0 s3, s7;
	s7 =	simm.s32 @!p0 $0x108  }
0x21: {  	s3 =	sadd.s32 s3, s9;
	s6 =	sadd.s32 @!p0 $0x88, s6;
	s7 =	simm.s32 @p2 $0x1082  }
0x22: {  	[simem:s7], [sflag:s8] =	dma.local @!p0 [hbm:s6], $0xF7A  }
0x23: {  	s9 =	sor.u32 $0xD0000000, s2;
	s6 =	simm.s32 $0x108;
	_ =	swait.ge @!p0 [sflag:s8], $0x0  }
0x24: {  	s3 =	sadd.s32 $0x88, s3;
	s6 =	simm.s32 @!p1 $0x1082;
	[sflag:s4] =	ssyncset.s32 $0xFFFFF086  }
0x25: {  	[simem:s6], [sflag:s4] =	dma.local [hbm:s3], $0xF7A  }
0x26: {  	[smem:$0x3F9F] =	sst s1;
	(tag) =	ssettag s2;
	_ =	strace s9  }
0x27: {  	s1 =	sld [smem:$0x3FAF]  }
0x28: {  	s2 =	sld [smem:$0x3FB0]  }
0x29: {  	s4 =	sld [smem:$0x3FB2]  }
0x2a: {  	p0 =	seq.s32 s5, $0x0;
	s5 =	sld [smem:$0x3FB3]  }
0x2b: {  	s6 =	sld [smem:$0x3FB4]  }
0x2c: {  	s7 =	sld [smem:$0x3FB5]  }
0x2d: {  	s3 =	simm.s32 $0x108;
	s8 =	sld [smem:$0x3FB6]  }
0x2e: {  	s3 =	simm.s32 @!p0 $0x1082;
	s9 =	sld [smem:$0x3FB7]  }
0x2f: {  	lr =	sadd.s32 s0, s3;
	s0 =	sld [smem:$0x3FAE]  }
0x30: {  	s3 =	sld [smem:$0x3FB1]  }
0x31: {  	[smem:$0x3FBA] =	sst s10  }
0x32: {  	s10 =	sld [smem:$0x3FB8];
	_ =	sdelay $0x3  }
0x33: {  	p0 =	seq.s32 s10, $0x1;
	s10 =	sld [smem:$0x3FBA];
	_ =	sdelay $0x3  }
0x34: {  	[smem:$0x3FBA] =	sst s10  }
0x35: {  	s10 =	sld [smem:$0x3FB9];
	_ =	sdelay $0x3  }
0x36: {  	p1 =	seq.s32 s10, $0x1;
	s10 =	sld [smem:$0x3FBA];
	_ =	sdelay $0x3  }
0x37: {  	[smem:$0x3FBA] =	sst s10  }
0x38: {  	s10 =	sld [smem:$0x3FBB]  }
0x39: {  	_ = 	snop;
	(pc) =	sbr.ind lr, $3  }
0x3a: {  	_ = 	snop  }
0x3b: {  	_ = 	snop  }
0x3c: {  	p2 =	seq.s32 s10, $0x1;
	s10 =	sld [smem:$0x3FBA]  }
0x3d: {  	_ =	shalt  }
0x3e: {  	_ =	shalt  }
0x3f: {  	_ =	shalt  }
0x40: {  	_ =	shalt  }
0x41: {  	_ =	shalt  }
0x42: {  	_ =	shalt  }
0x43: {  	_ =	shalt  }
0x44: {  	_ =	shalt  }
0x45: {  	_ =	shalt  }
0x46: {  	_ =	shalt  }
0x47: {  	_ =	shalt  }
0x48: {  	_ =	shalt  }
0x49: {  	_ =	shalt  }
0x4a: {  	_ =	shalt  }
0x4b: {  	_ =	shalt  }
0x4c: {  	_ =	shalt  }
0x4d: {  	_ =	shalt  }
0x4e: {  	_ =	shalt  }
0x4f: {  	_ =	shalt  }
0x50: {  	_ =	shalt  }
0x51: {  	_ =	shalt  }
0x52: {  	_ =	shalt  }
0x53: {  	_ =	shalt  }
0x54: {  	_ =	shalt  }
0x55: {  	_ =	shalt  }
0x56: {  	_ =	shalt  }
0x57: {  	_ =	shalt  }
0x58: {  	_ =	shalt  }
0x59: {  	_ =	shalt  }
0x5a: {  	_ =	shalt  }
0x5b: {  	_ =	shalt  }
0x5c: {  	_ =	shalt  }
0x5d: {  	_ =	shalt  }
0x5e: {  	_ =	shalt  }
0x5f: {  	_ =	shalt  }
0x60: {  	_ =	shalt  }
0x61: {  	_ =	shalt  }
0x62: {  	_ =	shalt  }
0x63: {  	_ =	shalt  }
0x64: {  	_ =	shalt  }
0x65: {  	_ =	shalt  }
0x66: {  	_ =	shalt  }
0x67: {  	_ =	shalt  }
0x68: {  	_ =	shalt  }
0x69: {  	_ =	shalt  }
0x6a: {  	_ =	shalt  }
0x6b: {  	_ =	shalt  }
0x6c: {  	_ =	shalt  }
0x6d: {  	_ =	shalt  }
0x6e: {  	_ =	shalt  }
0x6f: {  	_ =	shalt  }
0x70: {  	_ =	shalt  }
0x71: {  	_ =	shalt  }
0x72: {  	_ =	shalt  }
0x73: {  	_ =	shalt  }
0x74: {  	_ =	shalt  }
0x75: {  	_ =	shalt  }
0x76: {  	_ =	shalt  }
0x77: {  	_ =	shalt  }
0x78: {  	_ =	shalt  }
0x79: {  	_ =	shalt  }
0x7a: {  	_ =	shalt  }
0x7b: {  	_ =	shalt  }
0x7c: {  	_ =	shalt  }
0x7d: {  	_ =	shalt  }
0x7e: {  	_ =	shalt  }
0x7f: {  	_ =	shalt  }
0x80: {  	_ =	shalt  }
0x81: {  	_ =	shalt  }
0x82: {  	_ =	shalt  }
0x83: {  	_ =	shalt  }
0x84: {  	_ =	shalt  }
0x85: {  	_ =	shalt  }
0x86: {  	_ =	shalt  }
0x87: {  	_ =	shalt  }
.Lfunc_end0:
.L_simem_size_0:
called_computation.1_lowered:
.L_overlay_start_0:
0x88: {  	s2 =	sld [smem:$0x3FD9]  }
0x89: {  	s3 =	sld [smem:$0x3FFE];
	_ =	sdelay $0x1  }
0x8a: {  	s1 =	srdreg.scid  }
0x8b: {  	s0 =	sand.u32 $0x1, s1  }
0x8c: {  	s17 =	sshll.u32 s0, $0xA;
	s2 =	sadd.s32 s3, s2  }
0x8d: {  	s2 =	sadd.s32 s2, s17  }
0x8e: {  	[smem:$0x3FC6] =	sst s2  }
0x8f: {  	_ = 	snop  }
0x90: {  	s2 =	sld [smem:$0x3FD0];
	(tm) =	ssettm $0x1  }
0x91: {  	s18 =	sld [smem:$0x3FFB];
	_ =	sdelay $0x3  }
0x92: {  	_ =	strace s18  }
0x93: {  	s3 =	sld [smem:$0x3FFC];
	_ =	sdelay $0x3  }
0x94: {  	_ =	strace s3  }
0x95: {  	s3 =	sld [smem:$0x3FFD];
	_ =	sdelay $0x3  }
0x96: {  	_ =	strace s3  }
0x97: {  	_ =	strace $0x8FFFFFFF  }
0x98: {  	s19 =	sld [smem:$0x3FDB];
	_ =	sdelay $0x1  }
0x99: {  	s4 =	simm.s32 $_scs_section_size  }
0x9a: {  	s5 =	simm.s32 $_size__tile_overlayer_lowered;
	s6 =	simm.s32 $_tile_overlayer_lowered  }
0x9b: {  	s22 =	simm.s32 $0x1BFF;
	s21 =	sshll.u32 s6, $0x1;
	s3 =	sadd.s32 s4, s19  }
0x9c: {  	s7 =	simm.s32 $0x0;
	s20 =	sshll.u32 s5, $0x1;
	s5 =	sadd.s32 s21, s3  }
0x9d: {  	[timem:s7], [sflag:s22] =	dma.local [hbm:s5], s20  }
0x9e: {  	_ =	swait.ge [sflag:s22], s20  }
0x9f: {  	s4 =	ssub.s32 $0x0, s20;
	[sflag:s22] =	ssyncset.done $0x0  }
0xa0: {  	[sflag:s22] =	ssyncadd.s32 s4;
	_ =	sdelay $0x1  }
0xa1: {  	s23 =	simm.s32 $0x1B8B  }
0xa2: {  	_ =	swait.ge [sflag:s23], $0x1  }
0xa3: {  	[sflag:s23] =	ssyncset.done $0x0  }
0xa4: {  	s25 =	simm.s32 $0x1B8E;
	s24 =	sld [smem:$0x3FFE];
	[sflag:s23] =	ssyncadd.s32 $0xFFFFFFFF  }
0xa5: {  	s26 =	simm.s32 $execute0_lowered;
	[smem:$0x3FD2] =	sst s25  }
0xa6: {  	s5 =	sshll.u32 s26, $0x1;
	_ =	strace $0x80000046;
	[dreg:$0x1] =	wrdreg $0xFFFFFFFF  }
0xa7: {  	s28 =	simm.s32 $_size_execute0_lowered;
	s3 =	sadd.s32 s3, s5;
	[dreg:$0x0] =	wrdreg $0x0  }
0xa8: {  	s5 =	sshll.u32 s28, $0x1;
	[dreg:$0x2] =	wrdreg s3  }
0xa9: {  	[dreg:$0x3] =	wrdreg s5  }
0xaa: {  	[dreg:$0x4] =	wrdreg $0xC0  }
0xab: {  	_ =	task [dreg:s7], $0x5FFFF  }
0xac: {  	[dreg:$0x1] =	wrdreg $0xFFFFFFFF  }
0xad: {  	[dreg:$0x0] =	wrdreg $0x60  }
0xae: {  	[dreg:$0x2] =	wrdreg s2  }
0xaf: {  	[dreg:$0x3] =	wrdreg s24  }
0xb0: {  	[dreg:$0x4] =	wrdreg $0x9  }
0xb1: {  	_ =	task.clear_ibuf [dreg:s7], $0x5FFFF;
	_ =	strace $0x90000046  }
0xb2: {  	s29 =	simm.s32 $0x9;
	_ =	strace $0x80000048  }
0xb3: {  	_ =	swait.ge [sflag:s29], $0x1  }
0xb4: {  	[sflag:s29] =	ssyncadd.s32 $0xFFFFFFFF  }
0xb5: {  	_ =	strace $0x90000048  }
0xb6: {  	_ =	sfence  }
0xb7: {  	s30 =	sld [smem:$0x0];
	_ =	sdelay $0x2  }
0xb8: {  	s31 =	sshll.u32 s1, $0xD;
	s1 =	sshrl.u32 s1, $0x2  }
0xb9: {  	s3 =	sand.u32 $0x4000, s31;
	s1 =	sadd.s32 s1, s30  }
0xba: {  	s0 =	sor.u32 s3, s0;
	s1 =	sshll.u32 s1, $0x11  }
0xbb: {  	s0 =	sor.u32 s1, s0  }
0xbc: {  	s0 =	sadd.s32 $0x8F2B, s0  }
0xbd: {  	[sflag:s0] =	ssyncadd.remote.s32 $0x1  }
0xbe: {  	_ =	sfence.sel $0xFFFF  }
0xbf: {  	[dreg:$0x0] =	wrdreg $0xFFFFFFFF;
	(pc) =	sbr.abs _section_cstart, $3  }
0xc0: {  	[dreg:$0x1] =	wrdreg $0xFFFFFFFF  }
0xc1: {  	_ =	task.clear_ibuf [dreg:s7], $0x2FFFF;
	_ =	strace $0x9FFFFFFF  }
0xc2: {  	(tm) =	ssettm $0x7FFFFFFF  }
0xc3: {  	_ =	shalt  }
tec
execute0_lowered:
.L_overlay_start_1:
0x0: {  	(tag) =	ssettag $0x1  }
0x1: {  	s2 =	rddreg [dreg:$0x0]  }
0x2: {  	s0 =	srdreg.scid;
	s3 =	stileid.u32  }
0x3: {  	s1 =	rddreg [dreg:$0x1];
	s13 =	simm.s32 $0x200;
	s14 =	simm.s32 $0x1  }
0x4: {  	s15 =	simm.s32 $0x80;
	s16 =	simm.s32 $0x400;
	s22 =	simm.s32 $0x2  }
0x5: {  	s23 =	simm.s32 $0x8400;
	s24 =	simm.s32 $0x280;
	s25 =	simm.s32 $0xA400  }
0x6: {  	s28 =	simm.s32 $0xC400;
	s29 =	simm.s32 $0x380;
	s30 =	simm.s32 $0xE400  }
0x7: {  	s31 =	simm.s32 $0x3;
	s17 =	simm.s32 $0x0;
	s0 =	sand.u32 $0x1, s0  }
0x8: {  	s4 =	sshll.u32 s3, $0x1;
	s3 =	simm.s32 $0x0;
	s5 =	sadd.s32 $0x7C0800, s1  }
0x9: {  	s7 =	sor.u32 s0, s4;
	[smem:$0x7FF] =	sst s3;
	s0 =	ssub.s32 $0x2, s0  }
0xa: {  	s4 =	sadd.s32 $0x800, s1;
	s8 =	smul.u32 $0x6400, s7;
	s9 =	sshrl.u32 s0, $0x1  }
0xb: {  	_ =	strace $0x80000047;
	s7 =	smul.u32 $0x320000, s7;
	s0 =	ssub.s32 s0, s9  }
0xc: {  	s26 =	sshrl.u32 s8, $0x3;
	s9 =	sadd.s32 $0x400, s8;
	s10 =	sadd.s32 $0x600, s8  }
0xd: {  	s11 =	sor.u32 $0x10000, s7;
	s0 =	smax.u32 s0, $0x1;
	s6 =	sadd.s32 s2, s26  }
0xe: {  	[dreg:$0x4] =	wrdreg s0;
	s26 =	simm.s32 $0x300;
	s1 =	sadd.s32 $0x40, s6  }
0xf: {  	s0 =	simm.s32 $0x6;
	[dreg:$0x3] =	wrdreg s1;
	s1 =	simm.s32 $0x40  }
.LBB2_1:
0x10: {  	[tilespmem:s3], [sflag:$0x1] =	stream.linear.gather [hbm4b:s6+s3], $0x200, $0x38;
	[tilespmem:$0x10400] =	vst v63  }
0x11: {  	s8 =	rddreg [dreg:$0x3]  }
0x12: {  	[tilespmem:s13], [sflag:$0x2] =	stream.linear.gather [hbm4b:s8+s3], $0x200, $0x38;
	[tilespmem:$0x10400] =	vst v63  }
0x13: {  	_ =	swait.ge [sflag:s14], $0x200  }
0x14: {  	[sflag:s14] =	ssyncset.done $0x0  }
0x15: {  	[sflag:s14] =	ssyncadd.s32 $0xFFFFFE00  }
0x16: {  	[tilespmem:s16], [sflag:$0x3] =	stream.indirect.gather [hbm4b:s4+s15], $0x40, s3, s15, $0xb8;
	[tilespmem:$0x10400] =	vst v63  }
0x17: {  	s18 =	simm.s32 $0x2400  }
0x18: {  	[tilespmem:s18], [sflag:$0x3] =	stream.indirect.gather [hbm4b:s4+s15], $0x40, s15, s15, $0xb8;
	[tilespmem:$0x10400] =	vst v63  }
0x19: {  	s19 =	simm.s32 $0x100;
	s12 =	simm.s32 $0x4400  }
0x1a: {  	[tilespmem:s12], [sflag:$0x3] =	stream.indirect.gather [hbm4b:s4+s15], $0x40, s19, s15, $0xb8;
	[tilespmem:$0x10400] =	vst v63  }
0x1b: {  	s20 =	simm.s32 $0x180;
	s21 =	simm.s32 $0x6400;
	s18 =	simm.s32 $0x0  }
0x1c: {  	[tilespmem:s21], [sflag:$0x3] =	stream.indirect.gather [hbm4b:s4+s15], $0x40, s20, s15, $0xb8;
	[tilespmem:$0x10400] =	vst v63  }
.LBB2_2:
0x1d: {  	_ =	swait.ge [sflag:s22], $0x200  }
0x1e: {  	p0 =	seq.s32 s18, $0x0;
	[sflag:s22] =	ssyncset.done $0x0  }
0x1f: {  	s8 =	simm.s32 @!p0 $0x6;
	[sflag:s22] =	ssyncadd.s32 $0xFFFFFE00  }
0x20: {  	_ =	swait.ge @!p0 [sflag:s8], $0x8000  }
0x21: {  	[sflag:s8] =	ssyncset.done @!p0 $0x0  }
0x22: {  	[sflag:s8] =	ssyncadd.s32 @!p0 $0xFFFF8000  }
0x23: {  	[tilespmem:s23], [sflag:$0x4] =	stream.indirect.gather [hbm4b:s4+s15], $0x40, s13, s15, $0xb8;
	[tilespmem:$0x10400] =	vst v63  }
0x24: {  	_ = 	snop  }
0x25: {  	[tilespmem:s25], [sflag:$0x4] =	stream.indirect.gather [hbm4b:s4+s15], $0x40, s24, s15, $0xb8;
	[tilespmem:$0x10400] =	vst v63  }
0x26: {  	p0 =	seq.s32 s18, $0x18  }
0x27: {  	[tilespmem:s28], [sflag:$0x4] =	stream.indirect.gather [hbm4b:s4+s15], $0x40, s26, s15, $0xb8;
	[tilespmem:$0x10400] =	vst v63  }
0x28: {  	s8 =	sshll.u32 @!p0 s18, $0xA  }
0x29: {  	[tilespmem:s30], [sflag:$0x4] =	stream.indirect.gather [hbm4b:s4+s15], $0x40, s29, s15, $0xb8;
	[tilespmem:$0x10400] =	vst v63  }
0x2a: {  	s8 =	sadd.s32 @!p0 s8, s9;
	_ =	swait.ge [sflag:s31], $0x8000  }
0x2b: {  	s20 =	simm.s32 $0x480;
	s8 =	sshrl.u32 @!p0 s8, $0x3;
	[sflag:s31] =	ssyncset.done $0x0  }
0x2c: {  	s19 =	simm.s32 @!p0 $0x0;
	s8 =	sadd.s32 @!p0 s2, s8;
	[sflag:s31] =	ssyncadd.s32 $0xFFFF8000  }
0x2d: {  	[tilespmem:s19], [sflag:$0x1] =	stream.linear.gather @!p0 [hbm4b:s8+s19], $0x200, $0x38;
	[tilespmem:$0x10400] =	vst v63  }
0x2e: {  	v0 =	vld [tilespmem:s20+$0xFFFFFF80]  }
0x2f: {  	v1 =	vld [tilespmem:s20+$0xFFFFFF90]  }
0x30: {  	v2 =	vld [tilespmem:s20+$0xFFFFFFA0]  }
0x31: {  	v3 =	vld [tilespmem:s20+$0xFFFFFFB0]  }
0x32: {  	v4 =	vld [tilespmem:s20+$0xFFFFFFC0]  }
0x33: {  	v5 =	vld [tilespmem:s20+$0xFFFFFFD0];
	v0 =	vmul.f32 $8.000000000e+00, v0  }
0x34: {  	v6 =	vld [tilespmem:s20+$0xFFFFFFE0];
	v1 =	vmul.f32 $8.000000000e+00, v1  }
0x35: {  	[tilespmem:s20+$0xFFFFFF80] =	vst v0;
	v0 =	vmul.f32 $8.000000000e+00, v2;
	v2 =	vld [tilespmem:s20+$0x0]  }
0x36: {  	[tilespmem:s20+$0xFFFFFF90] =	vst v1;
	v1 =	vmul.f32 $8.000000000e+00, v3;
	v3 =	vld [tilespmem:s20+$0x10]  }
0x37: {  	[tilespmem:s20+$0xFFFFFFA0] =	vst v0;
	v0 =	vmul.f32 $8.000000000e+00, v4;
	v4 =	vld [tilespmem:s20+$0x20]  }
0x38: {  	v7 =	vld [tilespmem:s20+$0x30];
	[tilespmem:s20+$0xFFFFFFB0] =	vst v1;
	v1 =	vmul.f32 $8.000000000e+00, v5  }
0x39: {  	v5 =	vmul.f32 $8.000000000e+00, v6;
	[tilespmem:s20+$0xFFFFFFC0] =	vst v0;
	v0 =	vld [tilespmem:s20+$0x40]  }
0x3a: {  	[tilespmem:s20+$0xFFFFFFD0] =	vst v1;
	v1 =	vld [tilespmem:s20+$0x50];
	v2 =	vmul.f32 $8.000000000e+00, v2  }
0x3b: {  	[tilespmem:s20+$0xFFFFFFE0] =	vst v5;
	v6 =	vmul.f32 $8.000000000e+00, v3;
	v3 =	vld [tilespmem:s20+$0x60]  }
0x3c: {  	[tilespmem:s20+$0x0] =	vst v2;
	v5 =	vmul.f32 $8.000000000e+00, v4;
	v4 =	vld [tilespmem:s20+$0x70]  }
0x3d: {  	s21 =	simm.s32 $0x0;
	s19 =	sshll.u32 s18, $0x11;
	s8 =	simm.s32 $0x580;
	v2 =	vld [tilespmem:s20+$0xFFFFFFF0];
	[tilespmem:s20+$0x10] =	vst v6;
	v6 =	vmul.f32 $8.000000000e+00, v7  }
.LBB2_3:
0x3e: {  	v7 =	vld [tilespmem:s8+$0xFFFFFF80];
	[tilespmem:s20+$0x20] =	vst v5;
	v0 =	vmul.f32 $8.000000000e+00, v0  }
0x3f: {  	v5 =	vld [tilespmem:s8+$0xFFFFFF90];
	[tilespmem:s20+$0x30] =	vst v6;
	v1 =	vmul.f32 $8.000000000e+00, v1  }
0x40: {  	v6 =	vld [tilespmem:s8+$0xFFFFFFA0];
	[tilespmem:s20+$0x40] =	vst v0;
	v0 =	vmul.f32 $8.000000000e+00, v3  }
0x41: {  	v3 =	vld [tilespmem:s8+$0xFFFFFFB0];
	[tilespmem:s20+$0x50] =	vst v1;
	v1 =	vmul.f32 $8.000000000e+00, v4  }
0x42: {  	v4 =	vld [tilespmem:s8+$0xFFFFFFC0];
	v2 =	vmul.f32 $8.000000000e+00, v2;
	[tilespmem:s20+$0x60] =	vst v0  }
0x43: {  	v0 =	vmul.f32 $8.000000000e+00, v7;
	v7 =	vld [tilespmem:s8+$0xFFFFFFD0];
	[tilespmem:s20+$0x70] =	vst v1  }
0x44: {  	v1 =	vmul.f32 $8.000000000e+00, v5;
	v5 =	vld [tilespmem:s8+$0xFFFFFFE0];
	[tilespmem:s20+$0xFFFFFFF0] =	vst v2;
	s20 =	smov.u32 s8  }
0x45: {  	[tilespmem:s8+$0xFFFFFF80] =	vst v0;
	v0 =	vmul.f32 $8.000000000e+00, v6;
	v2 =	vld [tilespmem:s8+$0x0]  }
0x46: {  	[tilespmem:s8+$0xFFFFFF90] =	vst v1;
	v1 =	vmul.f32 $8.000000000e+00, v3;
	v3 =	vld [tilespmem:s8+$0x10]  }
0x47: {  	s21 =	sadd.s32 $0x4, s21;
	[tilespmem:s8+$0xFFFFFFA0] =	vst v0;
	v0 =	vmul.f32 $8.000000000e+00, v4;
	v4 =	vld [tilespmem:s8+$0x20]  }
0x48: {  	p0 =	slt.u32 s21, $0x1FC;
	[tilespmem:s8+$0xFFFFFFB0] =	vst v1;
	v1 =	vmul.f32 $8.000000000e+00, v7;
	v6 =	vld [tilespmem:s8+$0x30]  }
.Ltmp0:
0x49: {  	[tilespmem:s8+$0xFFFFFFC0] =	vst v0;
	v5 =	vmul.f32 $8.000000000e+00, v5;
	v0 =	vld [tilespmem:s8+$0x40];
	(pc) =	sbr.rel @p0 .LBB2_3-.Ltmp0, $4  }
0x4a: {  	[tilespmem:s8+$0xFFFFFFD0] =	vst v1;
	v2 =	vmul.f32 $8.000000000e+00, v2;
	v1 =	vld [tilespmem:s8+$0x50]  }
0x4b: {  	[tilespmem:s8+$0xFFFFFFE0] =	vst v5;
	v7 =	vmul.f32 $8.000000000e+00, v3;
	v3 =	vld [tilespmem:s8+$0x60]  }
0x4c: {  	[tilespmem:s8+$0x0] =	vst v2;
	v5 =	vmul.f32 $8.000000000e+00, v4;
	v4 =	vld [tilespmem:s8+$0x70]  }
0x4d: {  	s8 =	sadd.s32 $0x100, s8;
	v2 =	vld [tilespmem:s20+$0xFFFFFFF0];
	[tilespmem:s20+$0x10] =	vst v7;
	v6 =	vmul.f32 $8.000000000e+00, v6  }
0x4e: {  	[tilespmem:s20+$0x20] =	vst v5;
	v0 =	vmul.f32 $8.000000000e+00, v0  }
0x4f: {  	[tilespmem:s20+$0x30] =	vst v6;
	v1 =	vmul.f32 $8.000000000e+00, v1  }
0x50: {  	[tilespmem:s20+$0x40] =	vst v0;
	v0 =	vmul.f32 $8.000000000e+00, v3  }
0x51: {  	[tilespmem:s20+$0x50] =	vst v1;
	v1 =	vmul.f32 $8.000000000e+00, v4  }
0x52: {  	s8 =	sadd.s32 s7, s19;
	v2 =	vmul.f32 $8.000000000e+00, v2;
	[tilespmem:s20+$0x60] =	vst v0  }
0x53: {  	s8 =	sshrl.u32 s8, $0x3;
	[tilespmem:s20+$0x70] =	vst v1  }
0x54: {  	p0 =	sne.s32 s18, $0x18;
	s8 =	sadd.s32 s5, s8;
	[tilespmem:s20+$0xFFFFFFF0] =	vst v2  }
0x55: {  	[hbm4b:s8+s1] =	stream.strided.scatter [tilespmem:s16], [sflag:$0x5], $0x8000, s15, s1, $0x38;
	[tilespmem:$0x10400] =	vst v63  }
0x56: {  	s8 =	simm.s32 @p0 $0x1  }
0x57: {  	_ =	swait.ge @p0 [sflag:s8], $0x200  }
0x58: {  	[sflag:s8] =	ssyncset.done @p0 $0x0  }
0x59: {  	[sflag:s8] =	ssyncadd.s32 @p0 $0xFFFFFE00;
	s8 =	simm.s32 @p0 $0x5  }
0x5a: {  	_ =	swait.ge @p0 [sflag:s8], $0x8000  }
0x5b: {  	s21 =	simm.s32 @p0 $0x400;
	[sflag:s8] =	ssyncset.done @p0 $0x0  }
0x5c: {  	s20 =	simm.s32 @p0 $0x0;
	[sflag:s8] =	ssyncadd.s32 @p0 $0xFFFF8000;
	s8 =	simm.s32 @p0 $0x80  }
0x5d: {  	[tilespmem:s21], [sflag:$0x3] =	stream.indirect.gather @p0 [hbm4b:s4+s8], $0x40, s20, s8, $0xb8;
	[tilespmem:$0x10400] =	vst v63  }
0x5e: {  	s21 =	simm.s32 @p0 $0x2400  }
0x5f: {  	[tilespmem:s21], [sflag:$0x3] =	stream.indirect.gather @p0 [hbm4b:s4+s8], $0x40, s8, s8, $0xb8;
	[tilespmem:$0x10400] =	vst v63  }
0x60: {  	s12 =	simm.s32 @p0 $0x4400;
	s21 =	simm.s32 @p0 $0x100  }
0x61: {  	[tilespmem:s12], [sflag:$0x3] =	stream.indirect.gather @p0 [hbm4b:s4+s8], $0x40, s21, s8, $0xb8;
	[tilespmem:$0x10400] =	vst v63  }
0x62: {  	s12 =	simm.s32 @p0 $0x180;
	s21 =	simm.s32 @p0 $0x6400  }
0x63: {  	[tilespmem:s21], [sflag:$0x3] =	stream.indirect.gather @p0 [hbm4b:s4+s8], $0x40, s12, s8, $0xb8;
	[tilespmem:$0x10400] =	vst v63  }
0x64: {  	s8 =	simm.s32 @p0 $0x4;
	s12 =	sshll.u32 @p0 s18, $0xA  }
0x65: {  	_ =	swait.ge @p0 [sflag:s8], $0x8000;
	s12 =	sadd.s32 @p0 s12, s10  }
0x66: {  	[sflag:s8] =	ssyncset.done @p0 $0x0;
	s12 =	sshrl.u32 @p0 s12, $0x3  }
0x67: {  	[sflag:s8] =	ssyncadd.s32 @p0 $0xFFFF8000;
	s8 =	sadd.s32 @p0 s2, s12;
	s12 =	simm.s32 @p0 $0x200  }
0x68: {  	[tilespmem:s12], [sflag:$0x2] =	stream.linear.gather @p0 [hbm4b:s8+s20], $0x200, $0x38;
	[tilespmem:$0x10400] =	vst v63  }
0x69: {  	s8 =	simm.s32 @!p0 $0x4  }
0x6a: {  	_ =	swait.ge @!p0 [sflag:s8], $0x8000  }
0x6b: {  	[sflag:s8] =	ssyncset.done @!p0 $0x0  }
0x6c: {  	s20 =	simm.s32 $0x8400;
	[sflag:s8] =	ssyncadd.s32 @!p0 $0xFFFF8000  }
0x6d: {  	v1 =	vld [tilespmem:s20+$0xA0]  }
0x6e: {  	v2 =	vld [tilespmem:s20+$0x40]  }
0x6f: {  	v3 =	vld [tilespmem:s20+$0xE0]  }
0x70: {  	v4 =	vld [tilespmem:s20+$0xD0]  }
0x71: {  	v5 =	vld [tilespmem:s20+$0x20]  }
0x72: {  	v0 =	vld [tilespmem:s20+$0x90]  }
0x73: {  	v8 =	vld [tilespmem:s20+$0xC0]  }
0x74: {  	v7 =	vld [tilespmem:s20+$0x10]  }
0x75: {  	v9 =	vld [tilespmem:s20+$0x0];
	v1 =	vmul.f32 $8.000000000e+00, v1  }
0x76: {  	v11 =	vld [tilespmem:s20+$0x50];
	v4 =	vmul.f32 $8.000000000e+00, v4  }
0x77: {  	v10 =	vld [tilespmem:s20+$0xB0];
	v12 =	vmul.f32 $8.000000000e+00, v5;
	[tilespmem:s20+$0xA0] =	vst v1  }
0x78: {  	v6 =	vld [tilespmem:s20+$0xF0];
	v13 =	vmul.f32 $8.000000000e+00, v8;
	[tilespmem:s20+$0xD0] =	vst v4  }
0x79: {  	v1 =	vmul.f32 $8.000000000e+00, v2;
	v2 =	vmul.f32 $8.000000000e+00, v3;
	v3 =	vld [tilespmem:s20+$0x80];
	[tilespmem:s20+$0x20] =	vst v12  }
0x7a: {  	v4 =	vld [tilespmem:s20+$0x70];
	[tilespmem:s20+$0xC0] =	vst v13  }
0x7b: {  	v8 =	vmul.f32 $8.000000000e+00, v9;
	v5 =	vld [tilespmem:s20+$0x60];
	v9 =	vmul.f32 $8.000000000e+00, v11;
	[tilespmem:s20+$0x40] =	vst v1  }
0x7c: {  	s21 =	simm.s32 $0x0;
	s8 =	simm.s32 $0x8500;
	[tilespmem:s20+$0xE0] =	vst v2;
	v1 =	vmul.f32 $8.000000000e+00, v7;
	v7 =	vld [tilespmem:s20+$0x30];
	v2 =	vmul.f32 $8.000000000e+00, v10  }
.LBB2_5:
0x7d: {  	v10 =	vld [tilespmem:s8+$0xA0];
	s21 =	sadd.s32 $0x4, s21;
	[tilespmem:s20+$0x0] =	vst v8;
	v0 =	vmul.f32 $8.000000000e+00, v0;
	v6 =	vmul.f32 $8.000000000e+00, v6  }
0x7e: {  	v8 =	vld [tilespmem:s8+$0x40];
	p0 =	slt.u32 s21, $0x1FC;
	[tilespmem:s20+$0x50] =	vst v9;
	v3 =	vmul.f32 $8.000000000e+00, v3  }
0x7f: {  	v9 =	vld [tilespmem:s8+$0xE0];
	v4 =	vmul.f32 $8.000000000e+00, v4;
	[tilespmem:s20+$0xF0] =	vst v6  }
0x80: {  	v11 =	vld [tilespmem:s8+$0x20];
	v5 =	vmul.f32 $8.000000000e+00, v5;
	[tilespmem:s20+$0x80] =	vst v3  }
0x81: {  	v3 =	vld [tilespmem:s8+$0xD0];
	v6 =	vmul.f32 $8.000000000e+00, v7;
	[tilespmem:s20+$0x90] =	vst v0  }
0x82: {  	v0 =	vld [tilespmem:s8+$0x90];
	v7 =	vmul.f32 $8.000000000e+00, v10;
	[tilespmem:s20+$0x10] =	vst v1  }
0x83: {  	v1 =	vld [tilespmem:s8+$0x10];
	[tilespmem:s20+$0x30] =	vst v6  }
0x84: {  	v10 =	vld [tilespmem:s8+$0xC0];
	v9 =	vmul.f32 $8.000000000e+00, v9;
	[tilespmem:s20+$0xB0] =	vst v2  }
0x85: {  	v2 =	vld [tilespmem:s8+$0x0];
	[tilespmem:s20+$0x70] =	vst v4  }
0x86: {  	v12 =	vld [tilespmem:s8+$0xB0];
	v3 =	vmul.f32 $8.000000000e+00, v3;
	[tilespmem:s20+$0x60] =	vst v5;
	s20 =	smov.u32 s8  }
0x87: {  	v13 =	vld [tilespmem:s8+$0x50];
	[tilespmem:s8+$0xA0] =	vst v7  }
.Ltmp1:
0x88: {  	v4 =	vmul.f32 $8.000000000e+00, v8;
	[tilespmem:s8+$0xD0] =	vst v3;
	v6 =	vld [tilespmem:s8+$0xF0];
	(pc) =	sbr.rel @p0 .LBB2_5-.Ltmp1, $4  }
0x89: {  	v3 =	vld [tilespmem:s8+$0x80];
	v7 =	vmul.f32 $8.000000000e+00, v10;
	[tilespmem:s8+$0xE0] =	vst v9  }
0x8a: {  	v9 =	vmul.f32 $8.000000000e+00, v11;
	[tilespmem:s8+$0x40] =	vst v4;
	v4 =	vld [tilespmem:s8+$0x70]  }
0x8b: {  	v1 =	vmul.f32 $8.000000000e+00, v1;
	v8 =	vmul.f32 $8.000000000e+00, v2;
	v5 =	vld [tilespmem:s8+$0x60];
	[tilespmem:s8+$0xC0] =	vst v7  }
0x8c: {  	v2 =	vmul.f32 $8.000000000e+00, v12;
	s8 =	sadd.s32 $0x100, s8;
	[tilespmem:s20+$0x20] =	vst v9;
	v7 =	vld [tilespmem:s20+$0x30];
	v9 =	vmul.f32 $8.000000000e+00, v13  }
0x8d: {  	[tilespmem:s20+$0x0] =	vst v8  }
0x8e: {  	[tilespmem:s20+$0x10] =	vst v1  }
0x8f: {  	v6 =	vmul.f32 $8.000000000e+00, v6;
	[tilespmem:s20+$0x50] =	vst v9  }
0x90: {  	v0 =	vmul.f32 $8.000000000e+00, v0;
	[tilespmem:s20+$0xB0] =	vst v2  }
0x91: {  	s18 =	sadd.s32 $0x1, s18;
	v3 =	vmul.f32 $8.000000000e+00, v3;
	[tilespmem:s20+$0xF0] =	vst v6  }
0x92: {  	p0 =	sne.s32 s18, $0x19;
	[tilespmem:s20+$0x90] =	vst v0;
	v62 =	vmul.f32 $8.000000000e+00, v4  }
.Ltmp2:
0x93: {  	[tilespmem:s20+$0x80] =	vst v3;
	v63 =	vmul.f32 $8.000000000e+00, v5;
	(pc) =	sbr.rel @p0 .LBB2_2-.Ltmp2, $4  }
0x94: {  	s8 =	sadd.s32 s19, s11;
	v61 =	vmul.f32 $8.000000000e+00, v7;
	[tilespmem:s20+$0x70] =	vst v62  }
0x95: {  	s8 =	sshrl.u32 s8, $0x3;
	[tilespmem:s20+$0x60] =	vst v63  }
0x96: {  	s8 =	sadd.s32 s5, s8;
	[tilespmem:s20+$0x30] =	vst v61  }
0x97: {  	[hbm4b:s8+s1] =	stream.strided.scatter [tilespmem:s23], [sflag:$0x6], $0x8000, s15, s1, $0x38;
	[tilespmem:$0x10400] =	vst v63  }
0x98: {  	_ =	swait.ge [sflag:s0], $0x8000  }
0x99: {  	s17 =	sadd.s32 $0x1, s17;
	s8 =	rddreg [dreg:$0x4]  }
0x9a: {  	p0 =	sne.s32 s17, s8  }
.Ltmp3:
0x9b: {  	_ = 	snop;
	(pc) =	sbr.rel @p0 .LBB2_1-.Ltmp3, $3  }
0x9c: {  	_ =	sdelay $0x1  }
0x9d: {  	[sflag:s0] =	ssyncset.done $0x0  }
0x9e: {  	[sflag:s0] =	ssyncadd.s32 $0xFFFF8000  }
0x9f: {  	_ =	sfence.sel $0x180000  }
0xa0: {  	[bflag:$0x0] =	sbarrier.arrive $0xFFFF  }
0xa1: {  	_ =	strace $0x90000047  }
0xa2: {  	s0 =	stileid.u32;
	[bflag:$0x2] =	sbarrier.arrive $0xFFFF  }
0xa3: {  	p0 =	sne.s32 s0, $0x0;
	s0 =	rddreg [dreg:$0x2]  }
0xa4: {  	s0 =	sadd.s32 @!p0 $0x100000, s0  }
0xa5: {  	[sflag:s0] =	ssyncadd.tile.s32 @!p0 $0x1;
	_ =	shalt  }
.Lfunc_end2:
_tile_overlayer_lowered:
.L_overlay_start_2:
0xa6: {  	(tag) =	ssettag $0x2  }
0xa7: {  	s0 =	rddreg [dreg:$0x0];
	s2 =	stileid.u32  }
0xa8: {  	s1 =	rddreg [dreg:$0x1];
	p0 =	sne.s32 s2, $0x0  }
0xa9: {  	s3 =	rddreg [dreg:$0x2];
	[bflag:$0x3] =	sbarrier.arrive $0xFFFF;
	s2 =	simm.s32 @!p0 $0x1C07  }
0xaa: {  	[timem:s3], [sflag:s2] =	dma.local @!p0 [hbm:s0], s1  }
0xab: {  	s0 =	simm.s32 @!p0 $0x7  }
0xac: {  	_ =	swait.ge @!p0 [sflag:s0], s1  }
0xad: {  	s1 =	ssub.s32 @!p0 $0x0, s1;
	[sflag:s0] =	ssyncset.done @!p0 $0x0  }
0xae: {  	[sflag:s0] =	ssyncadd.s32 @!p0 s1  }
0xaf: {  	[bflag:$0x3] =	sbarrier.arrive $0xFFFF  }
0xb0: {  	_ =	shalt  }

// kernel: sparse-core-data-format-call.cloned.1.call-start
scs
called_computation_lowered:
.L_overlay_start_0:
0x0: {  	s2 =	sld [smem:$0x3FD9]  }
0x1: {  	s3 =	sld [smem:$0x3FFE];
	_ =	sdelay $0x1  }
0x2: {  	s1 =	srdreg.scid  }
0x3: {  	s0 =	sand.u32 $0x1, s1  }
0x4: {  	s18 =	sshll.u32 s0, $0xA;
	s2 =	sadd.s32 s3, s2  }
0x5: {  	s2 =	sadd.s32 s2, s18  }
0x6: {  	[smem:$0x3FC6] =	sst s2  }
0x7: {  	_ = 	snop  }
0x8: {  	s2 =	sld [smem:$0x3FD0];
	(tm) =	ssettm $0x1  }
0x9: {  	s19 =	sld [smem:$0x3FFB];
	_ =	sdelay $0x3  }
0xa: {  	_ =	strace s19  }
0xb: {  	s3 =	sld [smem:$0x3FFC];
	_ =	sdelay $0x3  }
0xc: {  	_ =	strace s3  }
0xd: {  	s3 =	sld [smem:$0x3FFD];
	_ =	sdelay $0x3  }
0xe: {  	_ =	strace s3  }
0xf: {  	_ =	strace $0x8FFFFFFF  }
0x10: {  	s20 =	sld [smem:$0x3FDB];
	_ =	sdelay $0x1  }
0x11: {  	s4 =	simm.s32 $_scs_section_size  }
0x12: {  	s5 =	simm.s32 $_size__tile_overlayer_lowered;
	s6 =	simm.s32 $_tile_overlayer_lowered  }
0x13: {  	s23 =	simm.s32 $0x1BFF;
	s22 =	sshll.u32 s6, $0x1;
	s3 =	sadd.s32 s4, s20  }
0x14: {  	s7 =	simm.s32 $0x0;
	s21 =	sshll.u32 s5, $0x1;
	s5 =	sadd.s32 s22, s3  }
0x15: {  	[timem:s7], [sflag:s23] =	dma.local [hbm:s5], s21  }
0x16: {  	_ =	swait.ge [sflag:s23], s21  }
0x17: {  	s4 =	ssub.s32 $0x0, s21;
	[sflag:s23] =	ssyncset.done $0x0  }
0x18: {  	[sflag:s23] =	ssyncadd.s32 s4;
	_ =	sdelay $0x1  }
0x19: {  	s24 =	simm.s32 $0x1B8B  }
0x1a: {  	_ =	swait.ge [sflag:s24], $0x1  }
0x1b: {  	[sflag:s24] =	ssyncset.done $0x0  }
0x1c: {  	s26 =	simm.s32 $0x1B8E;
	s25 =	sld [smem:$0x3FFE];
	[sflag:s24] =	ssyncadd.s32 $0xFFFFFFFF  }
0x1d: {  	s27 =	simm.s32 $execute0_lowered;
	[smem:$0x3FD2] =	sst s26  }
0x1e: {  	s5 =	sshll.u32 s27, $0x1;
	_ =	strace $0x80000049;
	[dreg:$0x1] =	wrdreg $0xFFFFFFFF  }
0x1f: {  	s28 =	simm.s32 $_size_execute0_lowered;
	s3 =	sadd.s32 s3, s5;
	[dreg:$0x0] =	wrdreg $0x0  }
0x20: {  	s5 =	sshll.u32 s28, $0x1;
	[dreg:$0x2] =	wrdreg s3  }
0x21: {  	[dreg:$0x3] =	wrdreg s5  }
0x22: {  	[dreg:$0x4] =	wrdreg $0xC0  }
0x23: {  	_ =	task [dreg:s7], $0x5FFFF  }
0x24: {  	[dreg:$0x1] =	wrdreg $0xFFFFFFFF  }
0x25: {  	[dreg:$0x0] =	wrdreg $0x60  }
0x26: {  	[dreg:$0x2] =	wrdreg s25  }
0x27: {  	[dreg:$0x3] =	wrdreg s2  }
0x28: {  	[dreg:$0x4] =	wrdreg $0x9  }
0x29: {  	_ =	task.clear_ibuf [dreg:s7], $0x5FFFF;
	_ =	strace $0x90000049  }
0x2a: {  	s29 =	simm.s32 $0x9;
	_ =	strace $0x8000004B  }
0x2b: {  	_ =	swait.ge [sflag:s29], $0x1  }
0x2c: {  	[sflag:s29] =	ssyncadd.s32 $0xFFFFFFFF  }
0x2d: {  	_ =	strace $0x9000004B  }
0x2e: {  	_ =	sfence  }
0x2f: {  	s30 =	sld [smem:$0x0];
	_ =	sdelay $0x2  }
0x30: {  	s31 =	sshll.u32 s1, $0xD;
	s1 =	sshrl.u32 s1, $0x2  }
0x31: {  	s3 =	sand.u32 $0x4000, s31;
	s1 =	sadd.s32 s1, s30  }
0x32: {  	s0 =	sor.u32 s3, s0;
	s1 =	sshll.u32 s1, $0x11  }
0x33: {  	s0 =	sor.u32 s1, s0  }
0x34: {  	s0 =	sadd.s32 $0x8F2B, s0  }
0x35: {  	[sflag:s0] =	ssyncadd.remote.s32 $0x1  }
0x36: {  	_ =	sfence.sel $0xFFFF  }
0x37: {  	[dreg:$0x0] =	wrdreg $0xFFFFFFFF;
	(pc) =	sbr.abs _section_cstart, $3  }
0x38: {  	[dreg:$0x1] =	wrdreg $0xFFFFFFFF  }
0x39: {  	_ =	task.clear_ibuf [dreg:s7], $0x2FFFF;
	_ =	strace $0x9FFFFFFF  }
0x3a: {  	(tm) =	ssettm $0x7FFFFFFF  }
0x3b: {  	_ =	shalt  }
tec
execute0_lowered:
.L_overlay_start_1:
0x0: {  	(tag) =	ssettag $0x1  }
0x1: {  	s0 =	srdreg.scid  }
0x2: {  	s1 =	sshll.u32 s0, $0x4  }
0x3: {  	s0 =	stileid.u32;
	s1 =	sand.u32 $0x10, s1  }
0x4: {  	s1 =	sor.u32 s0, s1  }
0x5: {  	s6 =	rddreg [dreg:$0x0];
	s4 =	simm.s32 $0x1;
	s2 =	sshll.u32 s1, $0x7  }
0x6: {  	s7 =	simm.s32 $0x2;
	s12 =	simm.s32 $0x0;
	s1 =	ssub.s32 $0x1000, s2  }
0x7: {  	s8 =	simm.s32 $0x8000;
	s13 =	simm.s32 $0x0;
	s3 =	sand.u32 $0xF80, s1  }
0x8: {  	s9 =	simm.s32 $0x0;
	s5 =	sshrl.u32 s1, $0xC;
	p0 =	sne.s32 s3, $0x0  }
.Ltmp0:
0x9: {  	s1 =	rddreg [dreg:$0x2];
	s4 =	simm.s32 @!p0 $0x0;
	(pc) =	sbr.rel .LBB1_1-.Ltmp0, $4  }
0xa: {  	s11 =	simm.s32 $0x0;
	s3 =	rddreg [dreg:$0x1];
	s5 =	sadd.s32 s4, s5  }
0xb: {  	_ =	strace $0x8000004A;
	s4 =	simm.s32 $0x1;
	s5 =	smul.u32 $0xC8, s5  }
0xc: {  	s6 =	sadd.s32 $0x7C0800, s6;
	s10 =	smov.u32 s2;
	[sflag:s4] =	ssyncpa.u1 $0x0  }
0xd: {  	p0 =	por $0x0, $0x0;
	[sflag:s7] =	ssyncpa.u1 $0x0;
	s7 =	sor.u32 $0x1, s5  }
.LBB1_4:
0xe: {  	s16 =	sshll.u32 s13, $0x3;
	s17 =	sand.u32 $0x78, s13  }
0xf: {  	s30 =	sand.u32 $0x7E00, s13;
	s12 =	sshll.u32 s12, $0xF;
	s16 =	sand.u32 $0xC00, s16  }
0x10: {  	[tilespmem:s15+$0x810 ss:$0x81] =	vst.msk $0xffff, v2;
	s31 =	sand.u32 $0x7, s13;
	s16 =	sor.u32 s17, s16;
	s17 =	sadd.s32 s3, s30  }
0x11: {  	[tilespmem:s15+$0x1020 ss:$0x81] =	vst.msk $0xffff, v0;
	s13 =	sshll.u32 s31, $0x12;
	s12 =	sadd.s32 s12, s17;
	s16 =	sshrl.u32 s16, $0x3  }
0x12: {  	[tilespmem:s15+$0x0 ss:$0x81] =	vst.msk $0xffff, v1;
	s13 =	sor.u32 $0x400, s13;
	s12 =	sadd.s32 s16, s12  }
0x13: {  	[hbm4b:s12+s13] =	stream.strided.scatter [tilespmem:s14], [sflag:$0x2], $0x2000, s8, s13, $0x20;
	[tilespmem:$0x8080] =	vst v63  }
.LBB1_5:
0x14: {  	s14 =	sadd.s32 $0x1, s9  }
0x15: {  	s12 =	sadd.s32 $0x1000, s10;
	s16 =	smov.u32 s10;
	p2 =	sgt.s32 s14, $0xC7  }
0x16: {  	s16 =	smov.u32 @p2 s12  }
0x17: {  	s14 =	simm.s32 @p2 $0x0;
	p2 =	sgt.s32 s16, $0xFFF  }
0x18: {  	s16 =	smov.u32 @p2 s2;
	p2 =	sne.s32 s11, s7  }
.Ltmp1:
0x19: {  	p1 =	slt.u32 s11, $0x2;
	(pc) =	sbr.rel @!p2 .LBB1_6-.Ltmp1, $4  }
0x1a: {  	s15 =	simm.s32 @!p1 $0x2  }
0x1b: {  	s13 =	smov.u32 s10;
	p0 =	por !p0, !p0;
	_ =	swait.ge @!p1 [sflag:s15], $0x2000  }
0x1c: {  	s12 =	smov.u32 s9;
	[sflag:s15] =	ssyncset.done @!p1 $0x0;
	s9 =	smov.u32 s14  }
0x1d: {  	s11 =	sadd.s32 $0x1, s11;
	[sflag:s15] =	ssyncadd.s32 @!p1 $0xFFFFE000;
	s10 =	smov.u32 s16  }
.LBB1_1:
0x1e: {  	p1 =	sge.u32 s11, s5  }
0x1f: {  	s14 =	sand.u32 @!p1 $0x1FFFFFF, s9  }
0x20: {  	s15 =	smulhi.u32 @!p1 $0x147AE15, s14;
	_ =	sdelay $0x1  }
0x21: {  	s15 =	smul.u32 @!p1 $0xC8, s15  }
0x22: {  	s16 =	sxor.u32 @!p1 $0xFFFFFFFF, s11;
	s17 =	smul.u32 @!p1 $0xC80, s10  }
0x23: {  	s31 =	sadd.s32 $0xFFFFFFFF, s11;
	s16 =	sshll.u32 @!p1 s16, $0xD;
	s14 =	ssub.s32 @!p1 s14, s15  }
0x24: {  	s15 =	sand.u32 @!p1 $0x2000, s16;
	s16 =	sadd.s32 @!p1 s6, s17;
	s14 =	sshll.u32 @!p1 s14, $0x4  }
0x25: {  	s17 =	simm.s32 @!p1 $0x6400;
	s14 =	sadd.s32 @!p1 s14, s16;
	s16 =	simm.s32 @!p1 $0x40  }
0x26: {  	[tilespmem:s15], [sflag:$0x1] =	stream.strided.gather @!p1 [hbm4b:s14+s16], $0x2000, s17, s16, $0x38;
	[tilespmem:$0x8080] =	vst v63  }
0x27: {  	p1 =	sge.u32 s31, s5  }
.Ltmp2:
0x28: {  	_ = 	snop;
	(pc) =	sbr.rel @p1 .LBB1_5-.Ltmp2, $1  }
0x29: {  	_ =	sdelay $0x3  }
0x2a: {  	s14 =	simm.s32 $0x1  }
0x2b: {  	_ =	swait.ge [sflag:s4], $0x2000;
	s14 =	simm.s32 @!p0 $0x0  }
0x2c: {  	[sflag:s4] =	ssyncset.done $0x0;
	s15 =	sshll.u32 s14, $0xD  }
0x2d: {  	[sflag:s4] =	ssyncadd.s32 $0xFFFFE000;
	s18 =	sor.u32 $0x20, s15  }
0x2e: {  	s14 =	smul.u32 $0x8100, s14;
	v3 =	vld [tilespmem:s18+$0x10]  }
0x2f: {  	s30 =	sand.u32 $0x1, s11;
	v2 =	vld [tilespmem:s18+$0xFFFFFFF0]  }
0x30: {  	s15 =	smul.u32 $0x8100, s30;
	s14 =	sshrl.u32 s14, $0x2;
	v0 =	vld [tilespmem:s18+$0x0]  }
0x31: {  	v1 =	vld [tilespmem:s18+$0xFFFFFFE0];
	s16 =	sor.u32 $0x4000, s14  }
0x32: {  	s31 =	sshrl.u32 s15, $0x2;
	s15 =	sadd.s32 $0x0, s16  }
0x33: {  	s17 =	simm.s32 $0x4;
	s18 =	sadd.s32 $0x40, s18;
	s14 =	sor.u32 $0x4000, s31;
	[tilespmem:s15+$0x1830 ss:$0x81] =	vst.msk $0xffff, v3  }
.LBB1_3:
0x34: {  	v3 =	vld [tilespmem:s18+$0x10];
	p1 =	sne.s32 s17, $0x1FC;
	[tilespmem:s15+$0x810 ss:$0x81] =	vst.msk $0xffff, v2;
	s19 =	smov.u32 s17;
	s17 =	sadd.s32 $0x4, s17  }
.Ltmp3:
0x35: {  	v2 =	vld [tilespmem:s18+$0xFFFFFFF0];
	[tilespmem:s15+$0x1020 ss:$0x81] =	vst.msk $0xffff, v0;
	(pc) =	sbr.rel @p1 .LBB1_3-.Ltmp3, $4  }
0x36: {  	v0 =	vld [tilespmem:s18+$0x0];
	[tilespmem:s15+$0x0 ss:$0x81] =	vst.msk $0xffff, v1  }
0x37: {  	s15 =	sshra.s32 s19, $0x2;
	v1 =	vld [tilespmem:s18+$0xFFFFFFE0]  }
0x38: {  	s15 =	sadd.s32 s15, s16  }
0x39: {  	s18 =	sadd.s32 $0x40, s18;
	[tilespmem:s15+$0x1830 ss:$0x81] =	vst.msk $0xffff, v3  }
.Ltmp4:
0x3a: {  	_ = 	snop;
	(pc) =	sbr.rel .LBB1_4-.Ltmp4, $1  }
0x3b: {  	_ =	sdelay $0x3  }
.LBB1_6:
0x3c: {  	_ =	sfence.sel $0x180000  }
0x3d: {  	s2 =	simm.s32 $0x1;
	[bflag:$0x0] =	sbarrier.arrive $0xFFFF  }
0x3e: {  	s31 =	simm.s32 $0x2;
	[sflag:s2] =	ssyncpa.u1 $0x1  }
0x3f: {  	[sflag:s31] =	ssyncpa.u1 $0x1  }
0x40: {  	p0 =	sne.s32 s0, $0x0;
	_ =	strace $0x9000004A  }
0x41: {  	s0 =	sadd.s32 @!p0 $0x100000, s1;
	[bflag:$0x2] =	sbarrier.arrive $0xFFFF  }
0x42: {  	[sflag:s0] =	ssyncadd.tile.s32 @!p0 $0x1;
	_ =	shalt  }
.Lfunc_end1:
_tile_overlayer_lowered:
.L_overlay_start_2:
0x43: {  	(tag) =	ssettag $0x2  }
0x44: {  	s0 =	rddreg [dreg:$0x0];
	s2 =	stileid.u32  }
0x45: {  	s1 =	rddreg [dreg:$0x1];
	p0 =	sne.s32 s2, $0x0  }
0x46: {  	s3 =	rddreg [dreg:$0x2];
	[bflag:$0x3] =	sbarrier.arrive $0xFFFF;
	s2 =	simm.s32 @!p0 $0x1C01  }
0x47: {  	[timem:s3], [sflag:s2] =	dma.local @!p0 [hbm:s0], s1  }
0x48: {  	s0 =	simm.s32 @!p0 $0x1  }
0x49: {  	_ =	swait.ge @!p0 [sflag:s0], s1  }
0x4a: {  	s1 =	ssub.s32 @!p0 $0x0, s1;
	[sflag:s0] =	ssyncset.done @!p0 $0x0  }
0x4b: {  	[sflag:s0] =	ssyncadd.s32 @!p0 s1  }
0x4c: {  	[bflag:$0x3] =	sbarrier.arrive $0xFFFF  }
0x4d: {  	_ =	shalt  }

</sc_bundles>
